<compile_context>
chip_gen: v7x
topology: tpu7x:2x2x1
jax: 0.10.2.dev20260603
libtpu: 0.0.44.dev20260713+nightly
codegen_flags: <defaults>
</compile_context>

<pallas_src>
import functools

import jax
import jax.numpy as jnp
from jax import lax
from jax.experimental import pallas as pl
from jax.experimental.pallas import tpu as pltpu
from jax.experimental.pallas import tpu_sc as plsc

_B = 16
_TOTAL = 16384
_MAXLEN = 2048
_LANES = 16
_HALF = _MAXLEN // 2
_WIN = _MAXLEN + 8
_BUF = _WIN + _MAXLEN + 128
_UNROLL = 4


def _rsqrt_newton(x):
    bits = lax.bitcast_convert_type(x, jnp.int32)
    y = lax.bitcast_convert_type(
        jnp.int32(0x5F3759DF) - (bits >> 1), jnp.float32)
    for _ in range(3):
        y = y * (1.5 - 0.5 * x * y * y)
    return y


def _ln_pos(x):
    bits = lax.bitcast_convert_type(x, jnp.int32)
    e = (bits >> 23) - 127
    m = lax.bitcast_convert_type(
        (bits & jnp.int32(0x7FFFFF)) | jnp.int32(0x3F800000), jnp.float32)
    big = m > 1.4142135623730951
    m = jnp.where(big, m * 0.5, m)
    e = e + jnp.where(big, 1, 0)
    t = (m - 1.0) / (m + 1.0)
    t2 = t * t
    p = 1.0 + t2 * (
        (1.0 / 3.0) + t2 * (0.2 + t2 * ((1.0 / 7.0) + t2 * (1.0 / 9.0))))
    return e.astype(jnp.float32) * 0.6931471805599453 + 2.0 * t * p


def _sc_body(flat_hbm, meta_hbm,
             norm_hbm, raw_hbm, lv_hbm,
             flat_v, meta_v, norm_buf, raw_buf, lv_buf,
             sem_raw, sem_norm, sem_lv):
    c = lax.axis_index("c")
    s = lax.axis_index("s")

    pltpu.sync_copy(meta_hbm.at[s], meta_v)
    meta = meta_v[...]
    wstart = pl.multiple_of(meta[0], 8)
    off = meta[1]
    seglen = meta[2]

    pltpu.sync_copy(flat_hbm.at[pl.ds(wstart, _WIN)],
                    flat_v.at[pl.ds(0, _WIN)])

    lane = lax.iota(jnp.int32, _LANES)
    zero = jnp.zeros((_LANES,), jnp.float32)

    blk = _UNROLL * _LANES
    nfull = seglen >> 6

    def body1(i, carry):
        sa, qa = carry
        p = off + i * blk
        for u in range(_UNROLL):
            v = flat_v[pl.ds(p + u * _LANES, _LANES)]
            sa = sa + v
            qa = qa + v * v
        return sa, qa

    sa, qa = lax.fori_loop(0, nfull, body1, (zero, zero))
    jb = nfull * blk
    for u in range(_UNROLL):
        j = jb + u * _LANES
        v = flat_v[pl.ds(off + j, _LANES)]
        v = jnp.where(j + lane < seglen, v, 0.0)
        sa = sa + v
        qa = qa + v * v

    def _hsum(vec):
        total = vec[0]
        for k in range(1, _LANES):
            total = total + vec[k]
        return total

    nv = jnp.broadcast_to(seglen.astype(jnp.float32), (_LANES,))
    sumv = jnp.broadcast_to(_hsum(sa), (_LANES,))
    sqv = jnp.broadcast_to(_hsum(qa), (_LANES,))
    muv = sumv / jnp.maximum(nv, 1.0)
    ssv = jnp.maximum(sqv - nv * muv * muv, 0.0)
    varv = ssv / jnp.maximum(nv - 1.0, 1.0)

    stdv = varv * _rsqrt_newton(jnp.maximum(varv, 1e-30))
    invv = jnp.where(varv > 1e-12, 1.0 / (stdv + 1e-6), 0.0)

    lv = jnp.clip(_ln_pos(varv + 1e-6), -5.0, 5.0)
    lv_buf[...] = lv
    cp_lv = pltpu.make_async_copy(lv_buf, lv_hbm.at[s], sem_lv)
    cp_lv.start()

    base = 0
    rel = jnp.clip(seglen, 0, _MAXLEN)
    n2full = rel >> 6
    boff = off + base

    def body2(i, carry):
        p = i * blk
        for u in range(_UNROLL):
            v = flat_v[pl.ds(boff + p + u * _LANES, _LANES)]
            raw_buf[pl.ds(p + u * _LANES, _LANES)] = v
            norm_buf[pl.ds(p + u * _LANES, _LANES)] = (v - muv) * invv
        return carry

    lax.fori_loop(0, n2full, body2, 0)

    pb = n2full * blk

    def body2b(i, carry):
        p = pb + i * _LANES
        v = flat_v[pl.ds(boff + p, _LANES)]
        m = p + lane < rel
        raw_buf[pl.ds(p, _LANES)] = jnp.where(m, v, 0.0)
        norm_buf[pl.ds(p, _LANES)] = jnp.where(m, (v - muv) * invv, 0.0)
        return carry

    nbnd = jnp.minimum((rel >> 4) + 1, _MAXLEN >> 4) - (n2full << 2)
    lax.fori_loop(0, nbnd, body2b, 0)

    zb = jnp.minimum((rel >> 4) + 1, _MAXLEN >> 4)

    def body2z(i, carry):
        p = i * _LANES
        raw_buf[pl.ds(p, _LANES)] = zero
        norm_buf[pl.ds(p, _LANES)] = zero
        return carry

    lax.fori_loop(zb, _MAXLEN >> 4, body2z, 0)

    cp_raw = pltpu.make_async_copy(raw_buf, raw_hbm.at[s], sem_raw)
    cp_raw.start()
    cp_norm = pltpu.make_async_copy(norm_buf, norm_hbm.at[s], sem_norm)
    cp_norm.start()

    cp_lv.wait()
    cp_raw.wait()
    cp_norm.wait()


@functools.cache
def _get_launch():
    return functools.partial(
        pl.kernel,
        out_type=[
            jax.ShapeDtypeStruct((_B, _MAXLEN), jnp.float32),
            jax.ShapeDtypeStruct((_B, _MAXLEN), jnp.float32),
            jax.ShapeDtypeStruct((_B, _LANES), jnp.float32),
        ],
        mesh=plsc.VectorSubcoreMesh(core_axis_name="c", subcore_axis_name="s", num_cores=1),
        scratch_types=[
            pltpu.VMEM((_BUF,), jnp.float32),
            pltpu.VMEM((_LANES,), jnp.int32),
            pltpu.VMEM((_MAXLEN,), jnp.float32),
            pltpu.VMEM((_MAXLEN,), jnp.float32),
            pltpu.VMEM((_LANES,), jnp.float32),
            pltpu.SemaphoreType.DMA,
            pltpu.SemaphoreType.DMA,
            pltpu.SemaphoreType.DMA,
        ],
    )(_sc_body)


@jax.jit
def kernel(flat, cu_seqlens):
    starts = cu_seqlens[:_B].astype(jnp.int32)
    lens = (cu_seqlens[1:_B + 1] - cu_seqlens[:_B]).astype(jnp.int32)
    wstart = jnp.minimum(starts & ~jnp.int32(7), jnp.int32(_TOTAL - _WIN))
    off = starts - wstart
    pad = jnp.zeros((_B,), jnp.int32)
    meta = jnp.stack(
        [wstart, off, lens] + [pad] * (_LANES - 3), axis=1)
    norm, raw, lv_full = _get_launch()(flat, meta)
    return norm, raw, lv_full[:, :1]

# --- scband reference (transcript-rebuilt; emitter-appended) ---
"""Pipeline reference for scband-qmuncertainty-estimator-5686536699926 (READ-ONLY COPY).

The authoritative reference and input builder live on the scoring server;
editing this copy changes nothing except your own understanding.
"""

import jax, jax.numpy as jnp
import numpy as np

B = 16
TOTAL = 16384
MAXLEN = 2048


def setup_inputs(seed: int = 0) -> dict:
    key = jax.random.key(seed)
    flat = jax.random.normal(key, (TOTAL,), dtype=jnp.float32)
    # Ragged segment lengths (one per molecule), each >= 2 and <= MAXLEN,
    # summing exactly to TOTAL. Deterministic via numpy rng.
    rng = np.random.default_rng(0)
    raw = rng.integers(512, 1536, size=B).astype(np.float64)
    lengths = np.floor(raw / raw.sum() * TOTAL).astype(np.int64)
    lengths[-1] += TOTAL - lengths.sum()
    lengths = np.maximum(lengths, 2)
    # re-fix total after the max (adjust largest segment)
    diff = TOTAL - lengths.sum()
    lengths[np.argmax(lengths)] += diff
    cu = np.zeros(B + 1, dtype=np.int32)
    cu[1:] = np.cumsum(lengths)
    cu_seqlens = jnp.asarray(cu, dtype=jnp.int32)
    return {"flat": flat, "cu_seqlens": cu_seqlens}


def reference(flat, cu_seqlens):
    """Faithful jax translation of QMUncertaintyEstimator.forward over a ragged
    batch of per-molecule atom-property vectors.
    Returns:
      local_uncertainty_matrix_norm : [B, MAXLEN] (zero-padded z-scores)
      local_uncertainty_matrix_raw  : [B, MAXLEN] (zero-padded raw values)
      global_logvar_vector          : [B, 1]      (clamped log-variance)
    """
    N = flat.shape[0]
    Bn = cu_seqlens.shape[0] - 1
    pos = jnp.arange(N)
    # segment id for each token: j such that cu[j] <= i < cu[j+1]
    seg_ids = jnp.searchsorted(cu_seqlens, pos, side="right") - 1
    seg_ids = jnp.clip(seg_ids, 0, Bn - 1)
    counts = (cu_seqlens[1:] - cu_seqlens[:-1]).astype(jnp.float32)
    # per-molecule mean
    sums = jax.ops.segment_sum(flat, seg_ids, num_segments=Bn)
    mu = sums / jnp.maximum(counts, 1.0)
    centered = flat - mu[seg_ids]
    # torch .std()/.var() default to unbiased (ddof=1)
    ss = jax.ops.segment_sum(centered * centered, seg_ids, num_segments=Bn)
    denom = jnp.maximum(counts - 1.0, 1.0)
    var_u = ss / denom
    std = jnp.sqrt(var_u)
    safe = jnp.isfinite(std) & (std > 1e-6)
    inv = jnp.where(safe, 1.0 / (std + 1e-6), 0.0)
    local_norm = centered * inv[seg_ids]
    # molecule_total_logvar = clamp(log(var + 1e-6), -5, 5), shape [B, 1]
    logvar = jnp.clip(jnp.log(var_u + 1e-6), -5.0, 5.0)[:, None]
    # pad ragged sequences into dense [B, MAXLEN] matrices (F.pad + stack)
    pos_in_seg = pos - cu_seqlens[seg_ids]
    mat_norm = jnp.zeros((Bn, MAXLEN), jnp.float32).at[seg_ids, pos_in_seg].set(local_norm)
    mat_raw = jnp.zeros((Bn, MAXLEN), jnp.float32).at[seg_ids, pos_in_seg].set(flat)
    return mat_norm, mat_raw, logvar

if __name__ == "__main__":
    import jax
    _d = setup_inputs()
    print(jax.jit(kernel)(*tuple(_d.values())))

</pallas_src>

<mosaic_0001>
#map = affine_map<(d0, d1) -> (0)>
#map1 = affine_map<(d0, d1) -> (0, 0)>
module attributes {stable_mosaic.version = 14 : i64} {
  func.func @_sc_body(%arg0: i32, %arg1: i32, %arg2: memref<16384xf32, #tpu.memory_space<hbm>>, %arg3: memref<16x16xi32, #tpu.memory_space<hbm>>, %arg4: memref<16x2048xf32, #tpu.memory_space<hbm>>, %arg5: memref<16x2048xf32, #tpu.memory_space<hbm>>, %arg6: memref<16x16xf32, #tpu.memory_space<hbm>>, %arg7: memref<4232xf32, #tpu.memory_space<vmem>>, %arg8: memref<16xi32, #tpu.memory_space<vmem>>, %arg9: memref<2048xf32, #tpu.memory_space<vmem>>, %arg10: memref<2048xf32, #tpu.memory_space<vmem>>, %arg11: memref<16xf32, #tpu.memory_space<vmem>>, %arg12: memref<!tpu.dma_semaphore, #tpu.memory_space<semaphore_mem>>, %arg13: memref<!tpu.dma_semaphore, #tpu.memory_space<semaphore_mem>>, %arg14: memref<!tpu.dma_semaphore, #tpu.memory_space<semaphore_mem>>) attributes {dimension_semantics = [#tpu.dimension_semantics<core_parallel>, #tpu.dimension_semantics<subcore_parallel>], iteration_bounds = array<i64: 1, 16>, scalar_prefetch = 0 : i64, scratch_operands = 8 : i64, tpu.core_type = #tpu.core_type<sc_vector_subcore>, window_params = [{transform_indices = #map}, {transform_indices = #map1}, {transform_indices = #map1}, {transform_indices = #map1}, {transform_indices = #map1}]} {
    "tpu.region"() ({
      %run_scoped3A = tpu.sem_alloc : memref<!tpu.dma_semaphore, #tpu.memory_space<semaphore_mem>>
      %dma_start3A_398 = arith.constant 0 : i32
      %dma_start3A_399 = tpu.memref_slice %arg3[%arg1, %dma_start3A_398] : memref<16x16xi32, #tpu.memory_space<hbm>> -> memref<1x16xi32, #tpu.memory_space<hbm>>
      %dma_start3A_400 = tpu.memref_squeeze %dma_start3A_399 : memref<1x16xi32, #tpu.memory_space<hbm>> -> memref<16xi32, #tpu.memory_space<hbm>>
      %dma_start3A_401 = arith.constant 0 : i32
      %dma_start3A_402 = tpu.memref_slice %arg3[%arg1, %dma_start3A_401] : memref<16x16xi32, #tpu.memory_space<hbm>> -> memref<1x16xi32, #tpu.memory_space<hbm>>
      %dma_start3A_403 = tpu.memref_squeeze %dma_start3A_402 : memref<1x16xi32, #tpu.memory_space<hbm>> -> memref<16xi32, #tpu.memory_space<hbm>>
      tpu.enqueue_dma source(%dma_start3A_403 : memref<16xi32, #tpu.memory_space<hbm>>) target(%arg8 : memref<16xi32, #tpu.memory_space<vmem>>) target_semaphore(%run_scoped3A : memref<!tpu.dma_semaphore, #tpu.memory_space<semaphore_mem>>)
      %dma_wait3A_404 = arith.constant 0 : i32
      %dma_wait3A_405 = tpu.memref_slice %arg3[%arg1, %dma_wait3A_404] : memref<16x16xi32, #tpu.memory_space<hbm>> -> memref<1x16xi32, #tpu.memory_space<hbm>>
      %dma_wait3A_406 = tpu.memref_squeeze %dma_wait3A_405 : memref<1x16xi32, #tpu.memory_space<hbm>> -> memref<16xi32, #tpu.memory_space<hbm>>
      %dma_wait3A_407 = arith.constant 0 : i32
      %dma_wait3A_408 = tpu.memref_slice %arg3[%arg1, %dma_wait3A_407] : memref<16x16xi32, #tpu.memory_space<hbm>> -> memref<1x16xi32, #tpu.memory_space<hbm>>
      %dma_wait3A_409 = tpu.memref_squeeze %dma_wait3A_408 : memref<1x16xi32, #tpu.memory_space<hbm>> -> memref<16xi32, #tpu.memory_space<hbm>>
      tpu.wait_dma2 semaphore(%run_scoped3A : memref<!tpu.dma_semaphore, #tpu.memory_space<semaphore_mem>>) src(%dma_wait3A_409 : memref<16xi32, #tpu.memory_space<hbm>>) dst(%arg8 : memref<16xi32, #tpu.memory_space<vmem>>)
      tpu.yield
    }) : () -> ()
    %get3A = arith.constant 0 : index
    %get3A_0 = tpu.vector_load %arg8[%get3A] {strides = array<i32>} : memref<16xi32, #tpu.memory_space<vmem>>, vector<16xi32>,
    %get3A_1 = vector.shape_cast %get3A_0 : vector<16xi32> to vector<16xi32>
    %slice3A = vector.extract_strided_slice %get3A_1 {offsets = [0], sizes = [1], strides = [1]} : vector<16xi32> to vector<1xi32>
    %squeeze3A = vector.extract %slice3A[0] : i32 from vector<1xi32>
    %multiple_of3A = tpu.assume_multiple %squeeze3A, 8 : i32
    %slice3A_2 = vector.extract_strided_slice %get3A_1 {offsets = [1], sizes = [1], strides = [1]} : vector<16xi32> to vector<1xi32>
    %squeeze3A_3 = vector.extract %slice3A_2[0] : i32 from vector<1xi32>
    %slice3A_4 = vector.extract_strided_slice %get3A_1 {offsets = [2], sizes = [1], strides = [1]} : vector<16xi32> to vector<1xi32>
    %squeeze3A_5 = vector.extract %slice3A_4[0] : i32 from vector<1xi32>
    "tpu.region"() ({
      %run_scoped3A = tpu.sem_alloc : memref<!tpu.dma_semaphore, #tpu.memory_space<semaphore_mem>>
      %dma_start3A_398 = arith.constant 0 : i32
      %dma_start3A_399 = tpu.memref_slice %arg7[%dma_start3A_398] : memref<4232xf32, #tpu.memory_space<vmem>> -> memref<2056xf32, #tpu.memory_space<vmem>>
      %dma_start3A_400 = tpu.memref_slice %arg2[%multiple_of3A] : memref<16384xf32, #tpu.memory_space<hbm>> -> memref<2056xf32, #tpu.memory_space<hbm>>
      %dma_start3A_401 = arith.constant 0 : i32
      %dma_start3A_402 = tpu.memref_slice %arg7[%dma_start3A_401] : memref<4232xf32, #tpu.memory_space<vmem>> -> memref<2056xf32, #tpu.memory_space<vmem>>
      %dma_start3A_403 = tpu.memref_slice %arg2[%multiple_of3A] : memref<16384xf32, #tpu.memory_space<hbm>> -> memref<2056xf32, #tpu.memory_space<hbm>>
      tpu.enqueue_dma source(%dma_start3A_403 : memref<2056xf32, #tpu.memory_space<hbm>>) target(%dma_start3A_402 : memref<2056xf32, #tpu.memory_space<vmem>>) target_semaphore(%run_scoped3A : memref<!tpu.dma_semaphore, #tpu.memory_space<semaphore_mem>>)
      %dma_wait3A_404 = arith.constant 0 : i32
      %dma_wait3A_405 = tpu.memref_slice %arg7[%dma_wait3A_404] : memref<4232xf32, #tpu.memory_space<vmem>> -> memref<2056xf32, #tpu.memory_space<vmem>>
      %dma_wait3A_406 = tpu.memref_slice %arg2[%multiple_of3A] : memref<16384xf32, #tpu.memory_space<hbm>> -> memref<2056xf32, #tpu.memory_space<hbm>>
      %dma_wait3A_407 = arith.constant 0 : i32
      %dma_wait3A_408 = tpu.memref_slice %arg7[%dma_wait3A_407] : memref<4232xf32, #tpu.memory_space<vmem>> -> memref<2056xf32, #tpu.memory_space<vmem>>
      %dma_wait3A_409 = tpu.memref_slice %arg2[%multiple_of3A] : memref<16384xf32, #tpu.memory_space<hbm>> -> memref<2056xf32, #tpu.memory_space<hbm>>
      tpu.wait_dma2 semaphore(%run_scoped3A : memref<!tpu.dma_semaphore, #tpu.memory_space<semaphore_mem>>) src(%dma_wait3A_409 : memref<2056xf32, #tpu.memory_space<hbm>>) dst(%dma_wait3A_408 : memref<2056xf32, #tpu.memory_space<vmem>>)
      tpu.yield
    }) : () -> ()
    %iota3A = tpu.iota {dimensions = array<i32: 0>} : vector<16xi32>
    %broadcast_in_dim3A = arith.constant 0.000000e+00 : f32
    %broadcast_in_dim3A_6 = vector.broadcast %broadcast_in_dim3A : f32 to vector<16xf32>
    %shift_right_arithmetic3A = arith.constant 6 : i32
    %shift_right_arithmetic3A_7 = arith.shrsi %squeeze3A_5, %shift_right_arithmetic3A : i32
    %while3A = arith.constant 0 : i32
    %while3A_8 = arith.subi %shift_right_arithmetic3A_7, %while3A : i32
    %while3A_9 = arith.addi %while3A, %while3A_8 : i32
    %while3A_10 = arith.constant 1 : i32
    %while3A_11 = arith.divsi %while3A_8, %while3A_10 : i32
    %while3A_12 = arith.muli %while3A_11, %while3A_10 : i32
    %while3A_13 = arith.addi %while3A, %while3A_12 : i32
    %while3A_14 = arith.constant 1 : i32
    %while3A_15:2 = scf.for %while3A_398 = %while3A to %while3A_13 step %while3A_14 iter_args(%while3A_399 = %broadcast_in_dim3A_6, %while3A_400 = %broadcast_in_dim3A_6) -> (vector<16xf32>, vector<16xf32>)  : i32 {
      %mul3A_401 = arith.constant 64 : i32
      %mul3A_402 = arith.muli %while3A_398, %mul3A_401 : i32
      %add3A_403 = arith.addi %squeeze3A_3, %mul3A_402 : i32
      %add3A_404 = arith.constant 0 : i32
      %add3A_405 = arith.addi %add3A_403, %add3A_404 : i32
      %get3A_406 = arith.index_cast %add3A_405 : i32 to index
      %get3A_407 = tpu.vector_load %arg7[%get3A_406] {strides = array<i32>} : memref<4232xf32, #tpu.memory_space<vmem>>, vector<16xf32>,
      %get3A_408 = vector.shape_cast %get3A_407 : vector<16xf32> to vector<16xf32>
      %add3A_409 = arith.addf %while3A_399, %get3A_408 : vector<16xf32>
      %mul3A_410 = arith.mulf %get3A_408, %get3A_408 : vector<16xf32>
      %add3A_411 = arith.addf %while3A_400, %mul3A_410 : vector<16xf32>
      %add3A_412 = arith.constant 16 : i32
      %add3A_413 = arith.addi %add3A_403, %add3A_412 : i32
      %get3A_414 = arith.index_cast %add3A_413 : i32 to index
      %get3A_415 = tpu.vector_load %arg7[%get3A_414] {strides = array<i32>} : memref<4232xf32, #tpu.memory_space<vmem>>, vector<16xf32>,
      %get3A_416 = vector.shape_cast %get3A_415 : vector<16xf32> to vector<16xf32>
      %add3A_417 = arith.addf %add3A_409, %get3A_416 : vector<16xf32>
      %mul3A_418 = arith.mulf %get3A_416, %get3A_416 : vector<16xf32>
      %add3A_419 = arith.addf %add3A_411, %mul3A_418 : vector<16xf32>
      %add3A_420 = arith.constant 32 : i32
      %add3A_421 = arith.addi %add3A_403, %add3A_420 : i32
      %get3A_422 = arith.index_cast %add3A_421 : i32 to index
      %get3A_423 = tpu.vector_load %arg7[%get3A_422] {strides = array<i32>} : memref<4232xf32, #tpu.memory_space<vmem>>, vector<16xf32>,
      %get3A_424 = vector.shape_cast %get3A_423 : vector<16xf32> to vector<16xf32>
      %add3A_425 = arith.addf %add3A_417, %get3A_424 : vector<16xf32>
      %mul3A_426 = arith.mulf %get3A_424, %get3A_424 : vector<16xf32>
      %add3A_427 = arith.addf %add3A_419, %mul3A_426 : vector<16xf32>
      %add3A_428 = arith.constant 48 : i32
      %add3A_429 = arith.addi %add3A_403, %add3A_428 : i32
      %get3A_430 = arith.index_cast %add3A_429 : i32 to index
      %get3A_431 = tpu.vector_load %arg7[%get3A_430] {strides = array<i32>} : memref<4232xf32, #tpu.memory_space<vmem>>, vector<16xf32>,
      %get3A_432 = vector.shape_cast %get3A_431 : vector<16xf32> to vector<16xf32>
      %add3A_433 = arith.addf %add3A_425, %get3A_432 : vector<16xf32>
      %mul3A_434 = arith.mulf %get3A_432, %get3A_432 : vector<16xf32>
      %add3A_435 = arith.addf %add3A_427, %mul3A_434 : vector<16xf32>
      scf.yield %add3A_433, %add3A_435 : vector<16xf32>, vector<16xf32>
    }
    %while3A_16 = arith.constant 1 : i32
    %while3A_17:2 = scf.for %while3A_398 = %while3A_13 to %while3A_9 step %while3A_16 iter_args(%while3A_399 = %while3A_15#0, %while3A_400 = %while3A_15#1) -> (vector<16xf32>, vector<16xf32>)  : i32 {
      %mul3A_401 = arith.constant 64 : i32
      %mul3A_402 = arith.muli %while3A_398, %mul3A_401 : i32
      %add3A_403 = arith.addi %squeeze3A_3, %mul3A_402 : i32
      %add3A_404 = arith.constant 0 : i32
      %add3A_405 = arith.addi %add3A_403, %add3A_404 : i32
      %get3A_406 = arith.index_cast %add3A_405 : i32 to index
      %get3A_407 = tpu.vector_load %arg7[%get3A_406] {strides = array<i32>} : memref<4232xf32, #tpu.memory_space<vmem>>, vector<16xf32>,
      %get3A_408 = vector.shape_cast %get3A_407 : vector<16xf32> to vector<16xf32>
      %add3A_409 = arith.addf %while3A_399, %get3A_408 : vector<16xf32>
      %mul3A_410 = arith.mulf %get3A_408, %get3A_408 : vector<16xf32>
      %add3A_411 = arith.addf %while3A_400, %mul3A_410 : vector<16xf32>
      %add3A_412 = arith.constant 16 : i32
      %add3A_413 = arith.addi %add3A_403, %add3A_412 : i32
      %get3A_414 = arith.index_cast %add3A_413 : i32 to index
      %get3A_415 = tpu.vector_load %arg7[%get3A_414] {strides = array<i32>} : memref<4232xf32, #tpu.memory_space<vmem>>, vector<16xf32>,
      %get3A_416 = vector.shape_cast %get3A_415 : vector<16xf32> to vector<16xf32>
      %add3A_417 = arith.addf %add3A_409, %get3A_416 : vector<16xf32>
      %mul3A_418 = arith.mulf %get3A_416, %get3A_416 : vector<16xf32>
      %add3A_419 = arith.addf %add3A_411, %mul3A_418 : vector<16xf32>
      %add3A_420 = arith.constant 32 : i32
      %add3A_421 = arith.addi %add3A_403, %add3A_420 : i32
      %get3A_422 = arith.index_cast %add3A_421 : i32 to index
      %get3A_423 = tpu.vector_load %arg7[%get3A_422] {strides = array<i32>} : memref<4232xf32, #tpu.memory_space<vmem>>, vector<16xf32>,
      %get3A_424 = vector.shape_cast %get3A_423 : vector<16xf32> to vector<16xf32>
      %add3A_425 = arith.addf %add3A_417, %get3A_424 : vector<16xf32>
      %mul3A_426 = arith.mulf %get3A_424, %get3A_424 : vector<16xf32>
      %add3A_427 = arith.addf %add3A_419, %mul3A_426 : vector<16xf32>
      %add3A_428 = arith.constant 48 : i32
      %add3A_429 = arith.addi %add3A_403, %add3A_428 : i32
      %get3A_430 = arith.index_cast %add3A_429 : i32 to index
      %get3A_431 = tpu.vector_load %arg7[%get3A_430] {strides = array<i32>} : memref<4232xf32, #tpu.memory_space<vmem>>, vector<16xf32>,
      %get3A_432 = vector.shape_cast %get3A_431 : vector<16xf32> to vector<16xf32>
      %add3A_433 = arith.addf %add3A_425, %get3A_432 : vector<16xf32>
      %mul3A_434 = arith.mulf %get3A_432, %get3A_432 : vector<16xf32>
      %add3A_435 = arith.addf %add3A_427, %mul3A_434 : vector<16xf32>
      scf.yield %add3A_433, %add3A_435 : vector<16xf32>, vector<16xf32>
    }
    %mul3A = arith.constant 64 : i32
    %mul3A_18 = arith.muli %shift_right_arithmetic3A_7, %mul3A : i32
    %add3A = arith.constant 0 : i32
    %add3A_19 = arith.addi %mul3A_18, %add3A : i32
    %add3A_20 = arith.addi %squeeze3A_3, %add3A_19 : i32
    %get3A_21 = arith.index_cast %add3A_20 : i32 to index
    %get3A_22 = tpu.vector_load %arg7[%get3A_21] {strides = array<i32>} : memref<4232xf32, #tpu.memory_space<vmem>>, vector<16xf32>,
    %get3A_23 = vector.shape_cast %get3A_22 : vector<16xf32> to vector<16xf32>
    %add3A_24 = vector.broadcast %add3A_19 : i32 to vector<16xi32>
    %add3A_25 = arith.addi %add3A_24, %iota3A : vector<16xi32>
    %lt3A = vector.broadcast %squeeze3A_5 : i32 to vector<16xi32>
    %lt3A_26 = arith.cmpi slt, %add3A_25, %lt3A : vector<16xi32>
    %jit3A = arith.constant 0.000000e+00 : f32
    %broadcast_in_dim3A_27 = vector.broadcast %jit3A : f32 to vector<16xf32>
    %select_n3A = arith.select %lt3A_26, %get3A_23, %broadcast_in_dim3A_27 : vector<16xi1>, vector<16xf32>
    %add3A_28 = arith.addf %while3A_17#0, %select_n3A : vector<16xf32>
    %mul3A_29 = arith.mulf %select_n3A, %select_n3A : vector<16xf32>
    %add3A_30 = arith.addf %while3A_17#1, %mul3A_29 : vector<16xf32>
    %add3A_31 = arith.constant 16 : i32
    %add3A_32 = arith.addi %mul3A_18, %add3A_31 : i32
    %add3A_33 = arith.addi %squeeze3A_3, %add3A_32 : i32
    %get3A_34 = arith.index_cast %add3A_33 : i32 to index
    %get3A_35 = tpu.vector_load %arg7[%get3A_34] {strides = array<i32>} : memref<4232xf32, #tpu.memory_space<vmem>>, vector<16xf32>,
    %get3A_36 = vector.shape_cast %get3A_35 : vector<16xf32> to vector<16xf32>
    %add3A_37 = vector.broadcast %add3A_32 : i32 to vector<16xi32>
    %add3A_38 = arith.addi %add3A_37, %iota3A : vector<16xi32>
    %lt3A_39 = vector.broadcast %squeeze3A_5 : i32 to vector<16xi32>
    %lt3A_40 = arith.cmpi slt, %add3A_38, %lt3A_39 : vector<16xi32>
    %jit3A_41 = arith.constant 0.000000e+00 : f32
    %broadcast_in_dim3A_42 = vector.broadcast %jit3A_41 : f32 to vector<16xf32>
    %select_n3A_43 = arith.select %lt3A_40, %get3A_36, %broadcast_in_dim3A_42 : vector<16xi1>, vector<16xf32>
    %add3A_44 = arith.addf %add3A_28, %select_n3A_43 : vector<16xf32>
    %mul3A_45 = arith.mulf %select_n3A_43, %select_n3A_43 : vector<16xf32>
    %add3A_46 = arith.addf %add3A_30, %mul3A_45 : vector<16xf32>
    %add3A_47 = arith.constant 32 : i32
    %add3A_48 = arith.addi %mul3A_18, %add3A_47 : i32
    %add3A_49 = arith.addi %squeeze3A_3, %add3A_48 : i32
    %get3A_50 = arith.index_cast %add3A_49 : i32 to index
    %get3A_51 = tpu.vector_load %arg7[%get3A_50] {strides = array<i32>} : memref<4232xf32, #tpu.memory_space<vmem>>, vector<16xf32>,
    %get3A_52 = vector.shape_cast %get3A_51 : vector<16xf32> to vector<16xf32>
    %add3A_53 = vector.broadcast %add3A_48 : i32 to vector<16xi32>
    %add3A_54 = arith.addi %add3A_53, %iota3A : vector<16xi32>
    %lt3A_55 = vector.broadcast %squeeze3A_5 : i32 to vector<16xi32>
    %lt3A_56 = arith.cmpi slt, %add3A_54, %lt3A_55 : vector<16xi32>
    %jit3A_57 = arith.constant 0.000000e+00 : f32
    %broadcast_in_dim3A_58 = vector.broadcast %jit3A_57 : f32 to vector<16xf32>
    %select_n3A_59 = arith.select %lt3A_56, %get3A_52, %broadcast_in_dim3A_58 : vector<16xi1>, vector<16xf32>
    %add3A_60 = arith.addf %add3A_44, %select_n3A_59 : vector<16xf32>
    %mul3A_61 = arith.mulf %select_n3A_59, %select_n3A_59 : vector<16xf32>
    %add3A_62 = arith.addf %add3A_46, %mul3A_61 : vector<16xf32>
    %add3A_63 = arith.constant 48 : i32
    %add3A_64 = arith.addi %mul3A_18, %add3A_63 : i32
    %add3A_65 = arith.addi %squeeze3A_3, %add3A_64 : i32
    %get3A_66 = arith.index_cast %add3A_65 : i32 to index
    %get3A_67 = tpu.vector_load %arg7[%get3A_66] {strides = array<i32>} : memref<4232xf32, #tpu.memory_space<vmem>>, vector<16xf32>,
    %get3A_68 = vector.shape_cast %get3A_67 : vector<16xf32> to vector<16xf32>
    %add3A_69 = vector.broadcast %add3A_64 : i32 to vector<16xi32>
    %add3A_70 = arith.addi %add3A_69, %iota3A : vector<16xi32>
    %lt3A_71 = vector.broadcast %squeeze3A_5 : i32 to vector<16xi32>
    %lt3A_72 = arith.cmpi slt, %add3A_70, %lt3A_71 : vector<16xi32>
    %jit3A_73 = arith.constant 0.000000e+00 : f32
    %broadcast_in_dim3A_74 = vector.broadcast %jit3A_73 : f32 to vector<16xf32>
    %select_n3A_75 = arith.select %lt3A_72, %get3A_68, %broadcast_in_dim3A_74 : vector<16xi1>, vector<16xf32>
    %add3A_76 = arith.addf %add3A_60, %select_n3A_75 : vector<16xf32>
    %mul3A_77 = arith.mulf %select_n3A_75, %select_n3A_75 : vector<16xf32>
    %add3A_78 = arith.addf %add3A_62, %mul3A_77 : vector<16xf32>
    %convert_element_type3A = arith.sitofp %squeeze3A_5 : i32 to f32
    %broadcast_in_dim3A_79 = vector.broadcast %convert_element_type3A : f32 to vector<16xf32>
    %slice3A_80 = vector.extract_strided_slice %add3A_76 {offsets = [0], sizes = [1], strides = [1]} : vector<16xf32> to vector<1xf32>
    %squeeze3A_81 = vector.extract %slice3A_80[0] : f32 from vector<1xf32>
    %slice3A_82 = vector.extract_strided_slice %add3A_76 {offsets = [1], sizes = [1], strides = [1]} : vector<16xf32> to vector<1xf32>
    %squeeze3A_83 = vector.extract %slice3A_82[0] : f32 from vector<1xf32>
    %add3A_84 = arith.addf %squeeze3A_81, %squeeze3A_83 : f32
    %slice3A_85 = vector.extract_strided_slice %add3A_76 {offsets = [2], sizes = [1], strides = [1]} : vector<16xf32> to vector<1xf32>
    %squeeze3A_86 = vector.extract %slice3A_85[0] : f32 from vector<1xf32>
    %add3A_87 = arith.addf %add3A_84, %squeeze3A_86 : f32
    %slice3A_88 = vector.extract_strided_slice %add3A_76 {offsets = [3], sizes = [1], strides = [1]} : vector<16xf32> to vector<1xf32>
    %squeeze3A_89 = vector.extract %slice3A_88[0] : f32 from vector<1xf32>
    %add3A_90 = arith.addf %add3A_87, %squeeze3A_89 : f32
    %slice3A_91 = vector.extract_strided_slice %add3A_76 {offsets = [4], sizes = [1], strides = [1]} : vector<16xf32> to vector<1xf32>
    %squeeze3A_92 = vector.extract %slice3A_91[0] : f32 from vector<1xf32>
    %add3A_93 = arith.addf %add3A_90, %squeeze3A_92 : f32
    %slice3A_94 = vector.extract_strided_slice %add3A_76 {offsets = [5], sizes = [1], strides = [1]} : vector<16xf32> to vector<1xf32>
    %squeeze3A_95 = vector.extract %slice3A_94[0] : f32 from vector<1xf32>
    %add3A_96 = arith.addf %add3A_93, %squeeze3A_95 : f32
    %slice3A_97 = vector.extract_strided_slice %add3A_76 {offsets = [6], sizes = [1], strides = [1]} : vector<16xf32> to vector<1xf32>
    %squeeze3A_98 = vector.extract %slice3A_97[0] : f32 from vector<1xf32>
    %add3A_99 = arith.addf %add3A_96, %squeeze3A_98 : f32
    %slice3A_100 = vector.extract_strided_slice %add3A_76 {offsets = [7], sizes = [1], strides = [1]} : vector<16xf32> to vector<1xf32>
    %squeeze3A_101 = vector.extract %slice3A_100[0] : f32 from vector<1xf32>
    %add3A_102 = arith.addf %add3A_99, %squeeze3A_101 : f32
    %slice3A_103 = vector.extract_strided_slice %add3A_76 {offsets = [8], sizes = [1], strides = [1]} : vector<16xf32> to vector<1xf32>
    %squeeze3A_104 = vector.extract %slice3A_103[0] : f32 from vector<1xf32>
    %add3A_105 = arith.addf %add3A_102, %squeeze3A_104 : f32
    %slice3A_106 = vector.extract_strided_slice %add3A_76 {offsets = [9], sizes = [1], strides = [1]} : vector<16xf32> to vector<1xf32>
    %squeeze3A_107 = vector.extract %slice3A_106[0] : f32 from vector<1xf32>
    %add3A_108 = arith.addf %add3A_105, %squeeze3A_107 : f32
    %slice3A_109 = vector.extract_strided_slice %add3A_76 {offsets = [10], sizes = [1], strides = [1]} : vector<16xf32> to vector<1xf32>
    %squeeze3A_110 = vector.extract %slice3A_109[0] : f32 from vector<1xf32>
    %add3A_111 = arith.addf %add3A_108, %squeeze3A_110 : f32
    %slice3A_112 = vector.extract_strided_slice %add3A_76 {offsets = [11], sizes = [1], strides = [1]} : vector<16xf32> to vector<1xf32>
    %squeeze3A_113 = vector.extract %slice3A_112[0] : f32 from vector<1xf32>
    %add3A_114 = arith.addf %add3A_111, %squeeze3A_113 : f32
    %slice3A_115 = vector.extract_strided_slice %add3A_76 {offsets = [12], sizes = [1], strides = [1]} : vector<16xf32> to vector<1xf32>
    %squeeze3A_116 = vector.extract %slice3A_115[0] : f32 from vector<1xf32>
    %add3A_117 = arith.addf %add3A_114, %squeeze3A_116 : f32
    %slice3A_118 = vector.extract_strided_slice %add3A_76 {offsets = [13], sizes = [1], strides = [1]} : vector<16xf32> to vector<1xf32>
    %squeeze3A_119 = vector.extract %slice3A_118[0] : f32 from vector<1xf32>
    %add3A_120 = arith.addf %add3A_117, %squeeze3A_119 : f32
    %slice3A_121 = vector.extract_strided_slice %add3A_76 {offsets = [14], sizes = [1], strides = [1]} : vector<16xf32> to vector<1xf32>
    %squeeze3A_122 = vector.extract %slice3A_121[0] : f32 from vector<1xf32>
    %add3A_123 = arith.addf %add3A_120, %squeeze3A_122 : f32
    %slice3A_124 = vector.extract_strided_slice %add3A_76 {offsets = [15], sizes = [1], strides = [1]} : vector<16xf32> to vector<1xf32>
    %squeeze3A_125 = vector.extract %slice3A_124[0] : f32 from vector<1xf32>
    %add3A_126 = arith.addf %add3A_123, %squeeze3A_125 : f32
    %broadcast_in_dim3A_127 = vector.broadcast %add3A_126 : f32 to vector<16xf32>
    %slice3A_128 = vector.extract_strided_slice %add3A_78 {offsets = [0], sizes = [1], strides = [1]} : vector<16xf32> to vector<1xf32>
    %squeeze3A_129 = vector.extract %slice3A_128[0] : f32 from vector<1xf32>
    %slice3A_130 = vector.extract_strided_slice %add3A_78 {offsets = [1], sizes = [1], strides = [1]} : vector<16xf32> to vector<1xf32>
    %squeeze3A_131 = vector.extract %slice3A_130[0] : f32 from vector<1xf32>
    %add3A_132 = arith.addf %squeeze3A_129, %squeeze3A_131 : f32
    %slice3A_133 = vector.extract_strided_slice %add3A_78 {offsets = [2], sizes = [1], strides = [1]} : vector<16xf32> to vector<1xf32>
    %squeeze3A_134 = vector.extract %slice3A_133[0] : f32 from vector<1xf32>
    %add3A_135 = arith.addf %add3A_132, %squeeze3A_134 : f32
    %slice3A_136 = vector.extract_strided_slice %add3A_78 {offsets = [3], sizes = [1], strides = [1]} : vector<16xf32> to vector<1xf32>
    %squeeze3A_137 = vector.extract %slice3A_136[0] : f32 from vector<1xf32>
    %add3A_138 = arith.addf %add3A_135, %squeeze3A_137 : f32
    %slice3A_139 = vector.extract_strided_slice %add3A_78 {offsets = [4], sizes = [1], strides = [1]} : vector<16xf32> to vector<1xf32>
    %squeeze3A_140 = vector.extract %slice3A_139[0] : f32 from vector<1xf32>
    %add3A_141 = arith.addf %add3A_138, %squeeze3A_140 : f32
    %slice3A_142 = vector.extract_strided_slice %add3A_78 {offsets = [5], sizes = [1], strides = [1]} : vector<16xf32> to vector<1xf32>
    %squeeze3A_143 = vector.extract %slice3A_142[0] : f32 from vector<1xf32>
    %add3A_144 = arith.addf %add3A_141, %squeeze3A_143 : f32
    %slice3A_145 = vector.extract_strided_slice %add3A_78 {offsets = [6], sizes = [1], strides = [1]} : vector<16xf32> to vector<1xf32>
    %squeeze3A_146 = vector.extract %slice3A_145[0] : f32 from vector<1xf32>
    %add3A_147 = arith.addf %add3A_144, %squeeze3A_146 : f32
    %slice3A_148 = vector.extract_strided_slice %add3A_78 {offsets = [7], sizes = [1], strides = [1]} : vector<16xf32> to vector<1xf32>
    %squeeze3A_149 = vector.extract %slice3A_148[0] : f32 from vector<1xf32>
    %add3A_150 = arith.addf %add3A_147, %squeeze3A_149 : f32
    %slice3A_151 = vector.extract_strided_slice %add3A_78 {offsets = [8], sizes = [1], strides = [1]} : vector<16xf32> to vector<1xf32>
    %squeeze3A_152 = vector.extract %slice3A_151[0] : f32 from vector<1xf32>
    %add3A_153 = arith.addf %add3A_150, %squeeze3A_152 : f32
    %slice3A_154 = vector.extract_strided_slice %add3A_78 {offsets = [9], sizes = [1], strides = [1]} : vector<16xf32> to vector<1xf32>
    %squeeze3A_155 = vector.extract %slice3A_154[0] : f32 from vector<1xf32>
    %add3A_156 = arith.addf %add3A_153, %squeeze3A_155 : f32
    %slice3A_157 = vector.extract_strided_slice %add3A_78 {offsets = [10], sizes = [1], strides = [1]} : vector<16xf32> to vector<1xf32>
    %squeeze3A_158 = vector.extract %slice3A_157[0] : f32 from vector<1xf32>
    %add3A_159 = arith.addf %add3A_156, %squeeze3A_158 : f32
    %slice3A_160 = vector.extract_strided_slice %add3A_78 {offsets = [11], sizes = [1], strides = [1]} : vector<16xf32> to vector<1xf32>
    %squeeze3A_161 = vector.extract %slice3A_160[0] : f32 from vector<1xf32>
    %add3A_162 = arith.addf %add3A_159, %squeeze3A_161 : f32
    %slice3A_163 = vector.extract_strided_slice %add3A_78 {offsets = [12], sizes = [1], strides = [1]} : vector<16xf32> to vector<1xf32>
    %squeeze3A_164 = vector.extract %slice3A_163[0] : f32 from vector<1xf32>
    %add3A_165 = arith.addf %add3A_162, %squeeze3A_164 : f32
    %slice3A_166 = vector.extract_strided_slice %add3A_78 {offsets = [13], sizes = [1], strides = [1]} : vector<16xf32> to vector<1xf32>
    %squeeze3A_167 = vector.extract %slice3A_166[0] : f32 from vector<1xf32>
    %add3A_168 = arith.addf %add3A_165, %squeeze3A_167 : f32
    %slice3A_169 = vector.extract_strided_slice %add3A_78 {offsets = [14], sizes = [1], strides = [1]} : vector<16xf32> to vector<1xf32>
    %squeeze3A_170 = vector.extract %slice3A_169[0] : f32 from vector<1xf32>
    %add3A_171 = arith.addf %add3A_168, %squeeze3A_170 : f32
    %slice3A_172 = vector.extract_strided_slice %add3A_78 {offsets = [15], sizes = [1], strides = [1]} : vector<16xf32> to vector<1xf32>
    %squeeze3A_173 = vector.extract %slice3A_172[0] : f32 from vector<1xf32>
    %add3A_174 = arith.addf %add3A_171, %squeeze3A_173 : f32
    %broadcast_in_dim3A_175 = vector.broadcast %add3A_174 : f32 to vector<16xf32>
    %max3A = arith.constant 1.000000e+00 : f32
    %max3A_176 = vector.broadcast %max3A : f32 to vector<16xf32>
    %max3A_177 = arith.maximumf %broadcast_in_dim3A_79, %max3A_176 : vector<16xf32>
    %div3A = arith.divf %broadcast_in_dim3A_127, %max3A_177 : vector<16xf32>
    %mul3A_178 = arith.mulf %broadcast_in_dim3A_79, %div3A : vector<16xf32>
    %mul3A_179 = arith.mulf %mul3A_178, %div3A : vector<16xf32>
    %sub3A = arith.subf %broadcast_in_dim3A_175, %mul3A_179 : vector<16xf32>
    %max3A_180 = arith.constant 0.000000e+00 : f32
    %max3A_181 = vector.broadcast %max3A_180 : f32 to vector<16xf32>
    %max3A_182 = arith.maximumf %sub3A, %max3A_181 : vector<16xf32>
    %sub3A_183 = arith.constant 1.000000e+00 : f32
    %sub3A_184 = vector.broadcast %sub3A_183 : f32 to vector<16xf32>
    %sub3A_185 = arith.subf %broadcast_in_dim3A_79, %sub3A_184 : vector<16xf32>
    %max3A_186 = arith.constant 1.000000e+00 : f32
    %max3A_187 = vector.broadcast %max3A_186 : f32 to vector<16xf32>
    %max3A_188 = arith.maximumf %sub3A_185, %max3A_187 : vector<16xf32>
    %div3A_189 = arith.divf %max3A_182, %max3A_188 : vector<16xf32>
    %max3A_190 = arith.constant 1.000000e-30 : f32
    %max3A_191 = vector.broadcast %max3A_190 : f32 to vector<16xf32>
    %max3A_192 = arith.maximumf %div3A_189, %max3A_191 : vector<16xf32>
    %bitcast_convert_type3A = tpu.bitcast %max3A_192 : vector<16xf32> -> vector<16xi32>
    %shift_right_arithmetic3A_193 = arith.constant 1 : i32
    %shift_right_arithmetic3A_194 = vector.broadcast %shift_right_arithmetic3A_193 : i32 to vector<16xi32>
    %shift_right_arithmetic3A_195 = arith.shrsi %bitcast_convert_type3A, %shift_right_arithmetic3A_194 : vector<16xi32>
    %sub3A_196 = arith.constant 1597463007 : i32
    %sub3A_197 = vector.broadcast %sub3A_196 : i32 to vector<16xi32>
    %sub3A_198 = arith.subi %sub3A_197, %shift_right_arithmetic3A_195 : vector<16xi32>
    %bitcast_convert_type3A_199 = tpu.bitcast %sub3A_198 : vector<16xi32> -> vector<16xf32>
    %mul3A_200 = arith.constant 5.000000e-01 : f32
    %mul3A_201 = vector.broadcast %mul3A_200 : f32 to vector<16xf32>
    %mul3A_202 = arith.mulf %mul3A_201, %max3A_192 : vector<16xf32>
    %mul3A_203 = arith.mulf %mul3A_202, %bitcast_convert_type3A_199 : vector<16xf32>
    %mul3A_204 = arith.mulf %mul3A_203, %bitcast_convert_type3A_199 : vector<16xf32>
    %sub3A_205 = arith.constant 1.500000e+00 : f32
    %sub3A_206 = vector.broadcast %sub3A_205 : f32 to vector<16xf32>
    %sub3A_207 = arith.subf %sub3A_206, %mul3A_204 : vector<16xf32>
    %mul3A_208 = arith.mulf %bitcast_convert_type3A_199, %sub3A_207 : vector<16xf32>
    %mul3A_209 = arith.constant 5.000000e-01 : f32
    %mul3A_210 = vector.broadcast %mul3A_209 : f32 to vector<16xf32>
    %mul3A_211 = arith.mulf %mul3A_210, %max3A_192 : vector<16xf32>
    %mul3A_212 = arith.mulf %mul3A_211, %mul3A_208 : vector<16xf32>
    %mul3A_213 = arith.mulf %mul3A_212, %mul3A_208 : vector<16xf32>
    %sub3A_214 = arith.constant 1.500000e+00 : f32
    %sub3A_215 = vector.broadcast %sub3A_214 : f32 to vector<16xf32>
    %sub3A_216 = arith.subf %sub3A_215, %mul3A_213 : vector<16xf32>
    %mul3A_217 = arith.mulf %mul3A_208, %sub3A_216 : vector<16xf32>
    %mul3A_218 = arith.constant 5.000000e-01 : f32
    %mul3A_219 = vector.broadcast %mul3A_218 : f32 to vector<16xf32>
    %mul3A_220 = arith.mulf %mul3A_219, %max3A_192 : vector<16xf32>
    %mul3A_221 = arith.mulf %mul3A_220, %mul3A_217 : vector<16xf32>
    %mul3A_222 = arith.mulf %mul3A_221, %mul3A_217 : vector<16xf32>
    %sub3A_223 = arith.constant 1.500000e+00 : f32
    %sub3A_224 = vector.broadcast %sub3A_223 : f32 to vector<16xf32>
    %sub3A_225 = arith.subf %sub3A_224, %mul3A_222 : vector<16xf32>
    %mul3A_226 = arith.mulf %mul3A_217, %sub3A_225 : vector<16xf32>
    %mul3A_227 = arith.mulf %div3A_189, %mul3A_226 : vector<16xf32>
    %gt3A = arith.constant 9.99999996E-13 : f32
    %gt3A_228 = vector.broadcast %gt3A : f32 to vector<16xf32>
    %gt3A_229 = arith.cmpf ogt, %div3A_189, %gt3A_228 : vector<16xf32>
    %add3A_230 = arith.constant 9.99999997E-7 : f32
    %add3A_231 = vector.broadcast %add3A_230 : f32 to vector<16xf32>
    %add3A_232 = arith.addf %mul3A_227, %add3A_231 : vector<16xf32>
    %div3A_233 = arith.constant 1.000000e+00 : f32
    %div3A_234 = vector.broadcast %div3A_233 : f32 to vector<16xf32>
    %div3A_235 = arith.divf %div3A_234, %add3A_232 : vector<16xf32>
    %jit3A_236 = arith.constant 0.000000e+00 : f32
    %broadcast_in_dim3A_237 = vector.broadcast %jit3A_236 : f32 to vector<16xf32>
    %select_n3A_238 = arith.select %gt3A_229, %div3A_235, %broadcast_in_dim3A_237 : vector<16xi1>, vector<16xf32>
    %add3A_239 = arith.constant 9.99999997E-7 : f32
    %add3A_240 = vector.broadcast %add3A_239 : f32 to vector<16xf32>
    %add3A_241 = arith.addf %div3A_189, %add3A_240 : vector<16xf32>
    %bitcast_convert_type3A_242 = tpu.bitcast %add3A_241 : vector<16xf32> -> vector<16xi32>
    %shift_right_arithmetic3A_243 = arith.constant 23 : i32
    %shift_right_arithmetic3A_244 = vector.broadcast %shift_right_arithmetic3A_243 : i32 to vector<16xi32>
    %shift_right_arithmetic3A_245 = arith.shrsi %bitcast_convert_type3A_242, %shift_right_arithmetic3A_244 : vector<16xi32>
    %sub3A_246 = arith.constant 127 : i32
    %sub3A_247 = vector.broadcast %sub3A_246 : i32 to vector<16xi32>
    %sub3A_248 = arith.subi %shift_right_arithmetic3A_245, %sub3A_247 : vector<16xi32>
    %and3A = arith.constant 8388607 : i32
    %and3A_249 = vector.broadcast %and3A : i32 to vector<16xi32>
    %and3A_250 = arith.andi %bitcast_convert_type3A_242, %and3A_249 : vector<16xi32>
    %or3A = arith.constant 1065353216 : i32
    %or3A_251 = vector.broadcast %or3A : i32 to vector<16xi32>
    %or3A_252 = arith.ori %and3A_250, %or3A_251 : vector<16xi32>
    %bitcast_convert_type3A_253 = tpu.bitcast %or3A_252 : vector<16xi32> -> vector<16xf32>
    %gt3A_254 = arith.constant 1.41421354 : f32
    %gt3A_255 = vector.broadcast %gt3A_254 : f32 to vector<16xf32>
    %gt3A_256 = arith.cmpf ogt, %bitcast_convert_type3A_253, %gt3A_255 : vector<16xf32>
    %mul3A_257 = arith.constant 5.000000e-01 : f32
    %mul3A_258 = vector.broadcast %mul3A_257 : f32 to vector<16xf32>
    %mul3A_259 = arith.mulf %bitcast_convert_type3A_253, %mul3A_258 : vector<16xf32>
    %select_n3A_260 = arith.select %gt3A_256, %mul3A_259, %bitcast_convert_type3A_253 : vector<16xi1>, vector<16xf32>
    %jit3A_261 = arith.constant 1 : i32
    %jit3A_262 = arith.constant 0 : i32
    %broadcast_in_dim3A_263 = vector.broadcast %jit3A_261 : i32 to vector<16xi32>
    %broadcast_in_dim3A_264 = vector.broadcast %jit3A_262 : i32 to vector<16xi32>
    %select_n3A_265 = arith.select %gt3A_256, %broadcast_in_dim3A_263, %broadcast_in_dim3A_264 : vector<16xi1>, vector<16xi32>
    %add3A_266 = arith.addi %sub3A_248, %select_n3A_265 : vector<16xi32>
    %sub3A_267 = arith.constant 1.000000e+00 : f32
    %sub3A_268 = vector.broadcast %sub3A_267 : f32 to vector<16xf32>
    %sub3A_269 = arith.subf %select_n3A_260, %sub3A_268 : vector<16xf32>
    %add3A_270 = arith.constant 1.000000e+00 : f32
    %add3A_271 = vector.broadcast %add3A_270 : f32 to vector<16xf32>
    %add3A_272 = arith.addf %select_n3A_260, %add3A_271 : vector<16xf32>
    %div3A_273 = arith.divf %sub3A_269, %add3A_272 : vector<16xf32>
    %mul3A_274 = arith.mulf %div3A_273, %div3A_273 : vector<16xf32>
    %mul3A_275 = arith.constant 0.111111112 : f32
    %mul3A_276 = vector.broadcast %mul3A_275 : f32 to vector<16xf32>
    %mul3A_277 = arith.mulf %mul3A_274, %mul3A_276 : vector<16xf32>
    %add3A_278 = arith.constant 0.142857149 : f32
    %add3A_279 = vector.broadcast %add3A_278 : f32 to vector<16xf32>
    %add3A_280 = arith.addf %add3A_279, %mul3A_277 : vector<16xf32>
    %mul3A_281 = arith.mulf %mul3A_274, %add3A_280 : vector<16xf32>
    %add3A_282 = arith.constant 2.000000e-01 : f32
    %add3A_283 = vector.broadcast %add3A_282 : f32 to vector<16xf32>
    %add3A_284 = arith.addf %add3A_283, %mul3A_281 : vector<16xf32>
    %mul3A_285 = arith.mulf %mul3A_274, %add3A_284 : vector<16xf32>
    %add3A_286 = arith.constant 0.333333343 : f32
    %add3A_287 = vector.broadcast %add3A_286 : f32 to vector<16xf32>
    %add3A_288 = arith.addf %add3A_287, %mul3A_285 : vector<16xf32>
    %mul3A_289 = arith.mulf %mul3A_274, %add3A_288 : vector<16xf32>
    %add3A_290 = arith.constant 1.000000e+00 : f32
    %add3A_291 = vector.broadcast %add3A_290 : f32 to vector<16xf32>
    %add3A_292 = arith.addf %add3A_291, %mul3A_289 : vector<16xf32>
    %convert_element_type3A_293 = arith.sitofp %add3A_266 : vector<16xi32> to vector<16xf32>
    %mul3A_294 = arith.constant 0.693147182 : f32
    %mul3A_295 = vector.broadcast %mul3A_294 : f32 to vector<16xf32>
    %mul3A_296 = arith.mulf %convert_element_type3A_293, %mul3A_295 : vector<16xf32>
    %mul3A_297 = arith.constant 2.000000e+00 : f32
    %mul3A_298 = vector.broadcast %mul3A_297 : f32 to vector<16xf32>
    %mul3A_299 = arith.mulf %mul3A_298, %div3A_273 : vector<16xf32>
    %mul3A_300 = arith.mulf %mul3A_299, %add3A_292 : vector<16xf32>
    %add3A_301 = arith.addf %mul3A_296, %mul3A_300 : vector<16xf32>
    %jit3A_302 = arith.constant -5.000000e+00 : f32
    %jit3A_303 = arith.constant 5.000000e+00 : f32
    %max3A_304 = vector.broadcast %jit3A_302 : f32 to vector<16xf32>
    %max3A_305 = arith.maximumf %max3A_304, %add3A_301 : vector<16xf32>
    %min3A = vector.broadcast %jit3A_303 : f32 to vector<16xf32>
    %min3A_306 = arith.minimumf %min3A, %max3A_305 : vector<16xf32>
    %swap3A = arith.constant 0 : index
    %swap3A_307 = tpu.vector_load %arg11[%swap3A] {strides = array<i32>} : memref<16xf32, #tpu.memory_space<vmem>>, vector<16xf32>,
    %swap3A_308 = vector.shape_cast %swap3A_307 : vector<16xf32> to vector<16xf32>
    %swap3A_309 = vector.shape_cast %min3A_306 : vector<16xf32> to vector<16xf32>
    tpu.vector_store %arg11[%swap3A], %swap3A_309 {strides = array<i32>} : memref<16xf32, #tpu.memory_space<vmem>>, vector<16xf32>,
    %dma_start3A = arith.constant 0 : i32
    %dma_start3A_310 = tpu.memref_slice %arg6[%arg1, %dma_start3A] : memref<16x16xf32, #tpu.memory_space<hbm>> -> memref<1x16xf32, #tpu.memory_space<hbm>>
    %dma_start3A_311 = tpu.memref_squeeze %dma_start3A_310 : memref<1x16xf32, #tpu.memory_space<hbm>> -> memref<16xf32, #tpu.memory_space<hbm>>
    %dma_start3A_312 = arith.constant 0 : i32
    %dma_start3A_313 = tpu.memref_slice %arg6[%arg1, %dma_start3A_312] : memref<16x16xf32, #tpu.memory_space<hbm>> -> memref<1x16xf32, #tpu.memory_space<hbm>>
    %dma_start3A_314 = tpu.memref_squeeze %dma_start3A_313 : memref<1x16xf32, #tpu.memory_space<hbm>> -> memref<16xf32, #tpu.memory_space<hbm>>
    tpu.enqueue_dma source(%arg11 : memref<16xf32, #tpu.memory_space<vmem>>) target(%dma_start3A_314 : memref<16xf32, #tpu.memory_space<hbm>>) target_semaphore(%arg14 : memref<!tpu.dma_semaphore, #tpu.memory_space<semaphore_mem>>)
    %jit3A_315 = arith.constant 0 : i32
    %jit3A_316 = arith.constant 2048 : i32
    %max3A_317 = arith.maxsi %jit3A_315, %squeeze3A_5 : i32
    %min3A_318 = arith.minsi %jit3A_316, %max3A_317 : i32
    %shift_right_arithmetic3A_319 = arith.constant 6 : i32
    %shift_right_arithmetic3A_320 = arith.shrsi %min3A_318, %shift_right_arithmetic3A_319 : i32
    %add3A_321 = arith.constant 0 : i32
    %add3A_322 = arith.addi %squeeze3A_3, %add3A_321 : i32
    %while3A_323 = arith.constant 0 : i32
    %while3A_324 = arith.constant 0 : i32
    %while3A_325 = arith.subi %shift_right_arithmetic3A_320, %while3A_324 : i32
    %while3A_326 = arith.addi %while3A_324, %while3A_325 : i32
    %while3A_327 = arith.constant 1 : i32
    %while3A_328 = arith.divsi %while3A_325, %while3A_327 : i32
    %while3A_329 = arith.muli %while3A_328, %while3A_327 : i32
    %while3A_330 = arith.addi %while3A_324, %while3A_329 : i32
    %while3A_331 = arith.constant 1 : i32
    scf.for %while3A_398 = %while3A_324 to %while3A_330 step %while3A_331  : i32 {
      %mul3A_399 = arith.constant 64 : i32
      %mul3A_400 = arith.muli %while3A_398, %mul3A_399 : i32
      %add3A_401 = arith.addi %add3A_322, %mul3A_400 : i32
      %add3A_402 = arith.constant 0 : i32
      %add3A_403 = arith.addi %add3A_401, %add3A_402 : i32
      %get3A_404 = arith.index_cast %add3A_403 : i32 to index
      %get3A_405 = tpu.vector_load %arg7[%get3A_404] {strides = array<i32>} : memref<4232xf32, #tpu.memory_space<vmem>>, vector<16xf32>,
      %get3A_406 = vector.shape_cast %get3A_405 : vector<16xf32> to vector<16xf32>
      %add3A_407 = arith.constant 0 : i32
      %add3A_408 = arith.addi %mul3A_400, %add3A_407 : i32
      %swap3A_409 = arith.index_cast %add3A_408 : i32 to index
      %swap3A_410 = tpu.vector_load %arg10[%swap3A_409] {strides = array<i32>} : memref<2048xf32, #tpu.memory_space<vmem>>, vector<16xf32>,
      %swap3A_411 = vector.shape_cast %swap3A_410 : vector<16xf32> to vector<16xf32>
      %swap3A_412 = vector.shape_cast %get3A_406 : vector<16xf32> to vector<16xf32>
      tpu.vector_store %arg10[%swap3A_409], %swap3A_412 {strides = array<i32>} : memref<2048xf32, #tpu.memory_space<vmem>>, vector<16xf32>,
      %sub3A_413 = arith.subf %get3A_406, %div3A : vector<16xf32>
      %mul3A_414 = arith.mulf %sub3A_413, %select_n3A_238 : vector<16xf32>
      %add3A_415 = arith.constant 0 : i32
      %add3A_416 = arith.addi %mul3A_400, %add3A_415 : i32
      %swap3A_417 = arith.index_cast %add3A_416 : i32 to index
      %swap3A_418 = tpu.vector_load %arg9[%swap3A_417] {strides = array<i32>} : memref<2048xf32, #tpu.memory_space<vmem>>, vector<16xf32>,
      %swap3A_419 = vector.shape_cast %swap3A_418 : vector<16xf32> to vector<16xf32>
      %swap3A_420 = vector.shape_cast %mul3A_414 : vector<16xf32> to vector<16xf32>
      tpu.vector_store %arg9[%swap3A_417], %swap3A_420 {strides = array<i32>} : memref<2048xf32, #tpu.memory_space<vmem>>, vector<16xf32>,
      %add3A_421 = arith.addi %add3A_322, %mul3A_400 : i32
      %add3A_422 = arith.constant 16 : i32
      %add3A_423 = arith.addi %add3A_421, %add3A_422 : i32
      %get3A_424 = arith.index_cast %add3A_423 : i32 to index
      %get3A_425 = tpu.vector_load %arg7[%get3A_424] {strides = array<i32>} : memref<4232xf32, #tpu.memory_space<vmem>>, vector<16xf32>,
      %get3A_426 = vector.shape_cast %get3A_425 : vector<16xf32> to vector<16xf32>
      %add3A_427 = arith.constant 16 : i32
      %add3A_428 = arith.addi %mul3A_400, %add3A_427 : i32
      %swap3A_429 = arith.index_cast %add3A_428 : i32 to index
      %swap3A_430 = tpu.vector_load %arg10[%swap3A_429] {strides = array<i32>} : memref<2048xf32, #tpu.memory_space<vmem>>, vector<16xf32>,
      %swap3A_431 = vector.shape_cast %swap3A_430 : vector<16xf32> to vector<16xf32>
      %swap3A_432 = vector.shape_cast %get3A_426 : vector<16xf32> to vector<16xf32>
      tpu.vector_store %arg10[%swap3A_429], %swap3A_432 {strides = array<i32>} : memref<2048xf32, #tpu.memory_space<vmem>>, vector<16xf32>,
      %sub3A_433 = arith.subf %get3A_426, %div3A : vector<16xf32>
      %mul3A_434 = arith.mulf %sub3A_433, %select_n3A_238 : vector<16xf32>
      %add3A_435 = arith.constant 16 : i32
      %add3A_436 = arith.addi %mul3A_400, %add3A_435 : i32
      %swap3A_437 = arith.index_cast %add3A_436 : i32 to index
      %swap3A_438 = tpu.vector_load %arg9[%swap3A_437] {strides = array<i32>} : memref<2048xf32, #tpu.memory_space<vmem>>, vector<16xf32>,
      %swap3A_439 = vector.shape_cast %swap3A_438 : vector<16xf32> to vector<16xf32>
      %swap3A_440 = vector.shape_cast %mul3A_434 : vector<16xf32> to vector<16xf32>
      tpu.vector_store %arg9[%swap3A_437], %swap3A_440 {strides = array<i32>} : memref<2048xf32, #tpu.memory_space<vmem>>, vector<16xf32>,
      %add3A_441 = arith.addi %add3A_322, %mul3A_400 : i32
      %add3A_442 = arith.constant 32 : i32
      %add3A_443 = arith.addi %add3A_441, %add3A_442 : i32
      %get3A_444 = arith.index_cast %add3A_443 : i32 to index
      %get3A_445 = tpu.vector_load %arg7[%get3A_444] {strides = array<i32>} : memref<4232xf32, #tpu.memory_space<vmem>>, vector<16xf32>,
      %get3A_446 = vector.shape_cast %get3A_445 : vector<16xf32> to vector<16xf32>
      %add3A_447 = arith.constant 32 : i32
      %add3A_448 = arith.addi %mul3A_400, %add3A_447 : i32
      %swap3A_449 = arith.index_cast %add3A_448 : i32 to index
      %swap3A_450 = tpu.vector_load %arg10[%swap3A_449] {strides = array<i32>} : memref<2048xf32, #tpu.memory_space<vmem>>, vector<16xf32>,
      %swap3A_451 = vector.shape_cast %swap3A_450 : vector<16xf32> to vector<16xf32>
      %swap3A_452 = vector.shape_cast %get3A_446 : vector<16xf32> to vector<16xf32>
      tpu.vector_store %arg10[%swap3A_449], %swap3A_452 {strides = array<i32>} : memref<2048xf32, #tpu.memory_space<vmem>>, vector<16xf32>,
      %sub3A_453 = arith.subf %get3A_446, %div3A : vector<16xf32>
      %mul3A_454 = arith.mulf %sub3A_453, %select_n3A_238 : vector<16xf32>
      %add3A_455 = arith.constant 32 : i32
      %add3A_456 = arith.addi %mul3A_400, %add3A_455 : i32
      %swap3A_457 = arith.index_cast %add3A_456 : i32 to index
      %swap3A_458 = tpu.vector_load %arg9[%swap3A_457] {strides = array<i32>} : memref<2048xf32, #tpu.memory_space<vmem>>, vector<16xf32>,
      %swap3A_459 = vector.shape_cast %swap3A_458 : vector<16xf32> to vector<16xf32>
      %swap3A_460 = vector.shape_cast %mul3A_454 : vector<16xf32> to vector<16xf32>
      tpu.vector_store %arg9[%swap3A_457], %swap3A_460 {strides = array<i32>} : memref<2048xf32, #tpu.memory_space<vmem>>, vector<16xf32>,
      %add3A_461 = arith.addi %add3A_322, %mul3A_400 : i32
      %add3A_462 = arith.constant 48 : i32
      %add3A_463 = arith.addi %add3A_461, %add3A_462 : i32
      %get3A_464 = arith.index_cast %add3A_463 : i32 to index
      %get3A_465 = tpu.vector_load %arg7[%get3A_464] {strides = array<i32>} : memref<4232xf32, #tpu.memory_space<vmem>>, vector<16xf32>,
      %get3A_466 = vector.shape_cast %get3A_465 : vector<16xf32> to vector<16xf32>
      %add3A_467 = arith.constant 48 : i32
      %add3A_468 = arith.addi %mul3A_400, %add3A_467 : i32
      %swap3A_469 = arith.index_cast %add3A_468 : i32 to index
      %swap3A_470 = tpu.vector_load %arg10[%swap3A_469] {strides = array<i32>} : memref<2048xf32, #tpu.memory_space<vmem>>, vector<16xf32>,
      %swap3A_471 = vector.shape_cast %swap3A_470 : vector<16xf32> to vector<16xf32>
      %swap3A_472 = vector.shape_cast %get3A_466 : vector<16xf32> to vector<16xf32>
      tpu.vector_store %arg10[%swap3A_469], %swap3A_472 {strides = array<i32>} : memref<2048xf32, #tpu.memory_space<vmem>>, vector<16xf32>,
      %sub3A_473 = arith.subf %get3A_466, %div3A : vector<16xf32>
      %mul3A_474 = arith.mulf %sub3A_473, %select_n3A_238 : vector<16xf32>
      %add3A_475 = arith.constant 48 : i32
      %add3A_476 = arith.addi %mul3A_400, %add3A_475 : i32
      %swap3A_477 = arith.index_cast %add3A_476 : i32 to index
      %swap3A_478 = tpu.vector_load %arg9[%swap3A_477] {strides = array<i32>} : memref<2048xf32, #tpu.memory_space<vmem>>, vector<16xf32>,
      %swap3A_479 = vector.shape_cast %swap3A_478 : vector<16xf32> to vector<16xf32>
      %swap3A_480 = vector.shape_cast %mul3A_474 : vector<16xf32> to vector<16xf32>
      tpu.vector_store %arg9[%swap3A_477], %swap3A_480 {strides = array<i32>} : memref<2048xf32, #tpu.memory_space<vmem>>, vector<16xf32>,
    }
    %while3A_332 = arith.constant 1 : i32
    scf.for %while3A_398 = %while3A_330 to %while3A_326 step %while3A_332  : i32 {
      %mul3A_399 = arith.constant 64 : i32
      %mul3A_400 = arith.muli %while3A_398, %mul3A_399 : i32
      %add3A_401 = arith.addi %add3A_322, %mul3A_400 : i32
      %add3A_402 = arith.constant 0 : i32
      %add3A_403 = arith.addi %add3A_401, %add3A_402 : i32
      %get3A_404 = arith.index_cast %add3A_403 : i32 to index
      %get3A_405 = tpu.vector_load %arg7[%get3A_404] {strides = array<i32>} : memref<4232xf32, #tpu.memory_space<vmem>>, vector<16xf32>,
      %get3A_406 = vector.shape_cast %get3A_405 : vector<16xf32> to vector<16xf32>
      %add3A_407 = arith.constant 0 : i32
      %add3A_408 = arith.addi %mul3A_400, %add3A_407 : i32
      %swap3A_409 = arith.index_cast %add3A_408 : i32 to index
      %swap3A_410 = tpu.vector_load %arg10[%swap3A_409] {strides = array<i32>} : memref<2048xf32, #tpu.memory_space<vmem>>, vector<16xf32>,
      %swap3A_411 = vector.shape_cast %swap3A_410 : vector<16xf32> to vector<16xf32>
      %swap3A_412 = vector.shape_cast %get3A_406 : vector<16xf32> to vector<16xf32>
      tpu.vector_store %arg10[%swap3A_409], %swap3A_412 {strides = array<i32>} : memref<2048xf32, #tpu.memory_space<vmem>>, vector<16xf32>,
      %sub3A_413 = arith.subf %get3A_406, %div3A : vector<16xf32>
      %mul3A_414 = arith.mulf %sub3A_413, %select_n3A_238 : vector<16xf32>
      %add3A_415 = arith.constant 0 : i32
      %add3A_416 = arith.addi %mul3A_400, %add3A_415 : i32
      %swap3A_417 = arith.index_cast %add3A_416 : i32 to index
      %swap3A_418 = tpu.vector_load %arg9[%swap3A_417] {strides = array<i32>} : memref<2048xf32, #tpu.memory_space<vmem>>, vector<16xf32>,
      %swap3A_419 = vector.shape_cast %swap3A_418 : vector<16xf32> to vector<16xf32>
      %swap3A_420 = vector.shape_cast %mul3A_414 : vector<16xf32> to vector<16xf32>
      tpu.vector_store %arg9[%swap3A_417], %swap3A_420 {strides = array<i32>} : memref<2048xf32, #tpu.memory_space<vmem>>, vector<16xf32>,
      %add3A_421 = arith.addi %add3A_322, %mul3A_400 : i32
      %add3A_422 = arith.constant 16 : i32
      %add3A_423 = arith.addi %add3A_421, %add3A_422 : i32
      %get3A_424 = arith.index_cast %add3A_423 : i32 to index
      %get3A_425 = tpu.vector_load %arg7[%get3A_424] {strides = array<i32>} : memref<4232xf32, #tpu.memory_space<vmem>>, vector<16xf32>,
      %get3A_426 = vector.shape_cast %get3A_425 : vector<16xf32> to vector<16xf32>
      %add3A_427 = arith.constant 16 : i32
      %add3A_428 = arith.addi %mul3A_400, %add3A_427 : i32
      %swap3A_429 = arith.index_cast %add3A_428 : i32 to index
      %swap3A_430 = tpu.vector_load %arg10[%swap3A_429] {strides = array<i32>} : memref<2048xf32, #tpu.memory_space<vmem>>, vector<16xf32>,
      %swap3A_431 = vector.shape_cast %swap3A_430 : vector<16xf32> to vector<16xf32>
      %swap3A_432 = vector.shape_cast %get3A_426 : vector<16xf32> to vector<16xf32>
      tpu.vector_store %arg10[%swap3A_429], %swap3A_432 {strides = array<i32>} : memref<2048xf32, #tpu.memory_space<vmem>>, vector<16xf32>,
      %sub3A_433 = arith.subf %get3A_426, %div3A : vector<16xf32>
      %mul3A_434 = arith.mulf %sub3A_433, %select_n3A_238 : vector<16xf32>
      %add3A_435 = arith.constant 16 : i32
      %add3A_436 = arith.addi %mul3A_400, %add3A_435 : i32
      %swap3A_437 = arith.index_cast %add3A_436 : i32 to index
      %swap3A_438 = tpu.vector_load %arg9[%swap3A_437] {strides = array<i32>} : memref<2048xf32, #tpu.memory_space<vmem>>, vector<16xf32>,
      %swap3A_439 = vector.shape_cast %swap3A_438 : vector<16xf32> to vector<16xf32>
      %swap3A_440 = vector.shape_cast %mul3A_434 : vector<16xf32> to vector<16xf32>
      tpu.vector_store %arg9[%swap3A_437], %swap3A_440 {strides = array<i32>} : memref<2048xf32, #tpu.memory_space<vmem>>, vector<16xf32>,
      %add3A_441 = arith.addi %add3A_322, %mul3A_400 : i32
      %add3A_442 = arith.constant 32 : i32
      %add3A_443 = arith.addi %add3A_441, %add3A_442 : i32
      %get3A_444 = arith.index_cast %add3A_443 : i32 to index
      %get3A_445 = tpu.vector_load %arg7[%get3A_444] {strides = array<i32>} : memref<4232xf32, #tpu.memory_space<vmem>>, vector<16xf32>,
      %get3A_446 = vector.shape_cast %get3A_445 : vector<16xf32> to vector<16xf32>
      %add3A_447 = arith.constant 32 : i32
      %add3A_448 = arith.addi %mul3A_400, %add3A_447 : i32
      %swap3A_449 = arith.index_cast %add3A_448 : i32 to index
      %swap3A_450 = tpu.vector_load %arg10[%swap3A_449] {strides = array<i32>} : memref<2048xf32, #tpu.memory_space<vmem>>, vector<16xf32>,
      %swap3A_451 = vector.shape_cast %swap3A_450 : vector<16xf32> to vector<16xf32>
      %swap3A_452 = vector.shape_cast %get3A_446 : vector<16xf32> to vector<16xf32>
      tpu.vector_store %arg10[%swap3A_449], %swap3A_452 {strides = array<i32>} : memref<2048xf32, #tpu.memory_space<vmem>>, vector<16xf32>,
      %sub3A_453 = arith.subf %get3A_446, %div3A : vector<16xf32>
      %mul3A_454 = arith.mulf %sub3A_453, %select_n3A_238 : vector<16xf32>
      %add3A_455 = arith.constant 32 : i32
      %add3A_456 = arith.addi %mul3A_400, %add3A_455 : i32
      %swap3A_457 = arith.index_cast %add3A_456 : i32 to index
      %swap3A_458 = tpu.vector_load %arg9[%swap3A_457] {strides = array<i32>} : memref<2048xf32, #tpu.memory_space<vmem>>, vector<16xf32>,
      %swap3A_459 = vector.shape_cast %swap3A_458 : vector<16xf32> to vector<16xf32>
      %swap3A_460 = vector.shape_cast %mul3A_454 : vector<16xf32> to vector<16xf32>
      tpu.vector_store %arg9[%swap3A_457], %swap3A_460 {strides = array<i32>} : memref<2048xf32, #tpu.memory_space<vmem>>, vector<16xf32>,
      %add3A_461 = arith.addi %add3A_322, %mul3A_400 : i32
      %add3A_462 = arith.constant 48 : i32
      %add3A_463 = arith.addi %add3A_461, %add3A_462 : i32
      %get3A_464 = arith.index_cast %add3A_463 : i32 to index
      %get3A_465 = tpu.vector_load %arg7[%get3A_464] {strides = array<i32>} : memref<4232xf32, #tpu.memory_space<vmem>>, vector<16xf32>,
      %get3A_466 = vector.shape_cast %get3A_465 : vector<16xf32> to vector<16xf32>
      %add3A_467 = arith.constant 48 : i32
      %add3A_468 = arith.addi %mul3A_400, %add3A_467 : i32
      %swap3A_469 = arith.index_cast %add3A_468 : i32 to index
      %swap3A_470 = tpu.vector_load %arg10[%swap3A_469] {strides = array<i32>} : memref<2048xf32, #tpu.memory_space<vmem>>, vector<16xf32>,
      %swap3A_471 = vector.shape_cast %swap3A_470 : vector<16xf32> to vector<16xf32>
      %swap3A_472 = vector.shape_cast %get3A_466 : vector<16xf32> to vector<16xf32>
      tpu.vector_store %arg10[%swap3A_469], %swap3A_472 {strides = array<i32>} : memref<2048xf32, #tpu.memory_space<vmem>>, vector<16xf32>,
      %sub3A_473 = arith.subf %get3A_466, %div3A : vector<16xf32>
      %mul3A_474 = arith.mulf %sub3A_473, %select_n3A_238 : vector<16xf32>
      %add3A_475 = arith.constant 48 : i32
      %add3A_476 = arith.addi %mul3A_400, %add3A_475 : i32
      %swap3A_477 = arith.index_cast %add3A_476 : i32 to index
      %swap3A_478 = tpu.vector_load %arg9[%swap3A_477] {strides = array<i32>} : memref<2048xf32, #tpu.memory_space<vmem>>, vector<16xf32>,
      %swap3A_479 = vector.shape_cast %swap3A_478 : vector<16xf32> to vector<16xf32>
      %swap3A_480 = vector.shape_cast %mul3A_474 : vector<16xf32> to vector<16xf32>
      tpu.vector_store %arg9[%swap3A_477], %swap3A_480 {strides = array<i32>} : memref<2048xf32, #tpu.memory_space<vmem>>, vector<16xf32>,
    }
    %mul3A_333 = arith.constant 64 : i32
    %mul3A_334 = arith.muli %shift_right_arithmetic3A_320, %mul3A_333 : i32
    %shift_right_arithmetic3A_335 = arith.constant 4 : i32
    %shift_right_arithmetic3A_336 = arith.shrsi %min3A_318, %shift_right_arithmetic3A_335 : i32
    %add3A_337 = arith.constant 1 : i32
    %add3A_338 = arith.addi %shift_right_arithmetic3A_336, %add3A_337 : i32
    %min3A_339 = arith.constant 128 : i32
    %min3A_340 = arith.minsi %add3A_338, %min3A_339 : i32
    %shift_left3A = arith.constant 2 : i32
    %shift_left3A_341 = arith.shli %shift_right_arithmetic3A_320, %shift_left3A : i32
    %sub3A_342 = arith.subi %min3A_340, %shift_left3A_341 : i32
    %while3A_343 = arith.constant 0 : i32
    %while3A_344 = arith.constant 0 : i32
    %while3A_345 = arith.subi %sub3A_342, %while3A_344 : i32
    %while3A_346 = arith.addi %while3A_344, %while3A_345 : i32
    %while3A_347 = arith.constant 1 : i32
    %while3A_348 = arith.divsi %while3A_345, %while3A_347 : i32
    %while3A_349 = arith.muli %while3A_348, %while3A_347 : i32
    %while3A_350 = arith.addi %while3A_344, %while3A_349 : i32
    %while3A_351 = arith.constant 1 : i32
    scf.for %while3A_398 = %while3A_344 to %while3A_350 step %while3A_351  : i32 {
      %mul3A_399 = arith.constant 16 : i32
      %mul3A_400 = arith.muli %while3A_398, %mul3A_399 : i32
      %add3A_401 = arith.addi %mul3A_334, %mul3A_400 : i32
      %add3A_402 = arith.addi %add3A_322, %add3A_401 : i32
      %get3A_403 = arith.index_cast %add3A_402 : i32 to index
      %get3A_404 = tpu.vector_load %arg7[%get3A_403] {strides = array<i32>} : memref<4232xf32, #tpu.memory_space<vmem>>, vector<16xf32>,
      %get3A_405 = vector.shape_cast %get3A_404 : vector<16xf32> to vector<16xf32>
      %add3A_406 = vector.broadcast %add3A_401 : i32 to vector<16xi32>
      %add3A_407 = arith.addi %add3A_406, %iota3A : vector<16xi32>
      %lt3A_408 = vector.broadcast %min3A_318 : i32 to vector<16xi32>
      %lt3A_409 = arith.cmpi slt, %add3A_407, %lt3A_408 : vector<16xi32>
      %jit3A_410 = arith.constant 0.000000e+00 : f32
      %broadcast_in_dim3A_411 = vector.broadcast %jit3A_410 : f32 to vector<16xf32>
      %select_n3A_412 = arith.select %lt3A_409, %get3A_405, %broadcast_in_dim3A_411 : vector<16xi1>, vector<16xf32>
      %swap3A_413 = arith.index_cast %add3A_401 : i32 to index
      %swap3A_414 = tpu.vector_load %arg10[%swap3A_413] {strides = array<i32>} : memref<2048xf32, #tpu.memory_space<vmem>>, vector<16xf32>,
      %swap3A_415 = vector.shape_cast %swap3A_414 : vector<16xf32> to vector<16xf32>
      %swap3A_416 = vector.shape_cast %select_n3A_412 : vector<16xf32> to vector<16xf32>
      tpu.vector_store %arg10[%swap3A_413], %swap3A_416 {strides = array<i32>} : memref<2048xf32, #tpu.memory_space<vmem>>, vector<16xf32>,
      %sub3A_417 = arith.subf %get3A_405, %div3A : vector<16xf32>
      %mul3A_418 = arith.mulf %sub3A_417, %select_n3A_238 : vector<16xf32>
      %jit3A_419 = arith.constant 0.000000e+00 : f32
      %broadcast_in_dim3A_420 = vector.broadcast %jit3A_419 : f32 to vector<16xf32>
      %select_n3A_421 = arith.select %lt3A_409, %mul3A_418, %broadcast_in_dim3A_420 : vector<16xi1>, vector<16xf32>
      %swap3A_422 = arith.index_cast %add3A_401 : i32 to index
      %swap3A_423 = tpu.vector_load %arg9[%swap3A_422] {strides = array<i32>} : memref<2048xf32, #tpu.memory_space<vmem>>, vector<16xf32>,
      %swap3A_424 = vector.shape_cast %swap3A_423 : vector<16xf32> to vector<16xf32>
      %swap3A_425 = vector.shape_cast %select_n3A_421 : vector<16xf32> to vector<16xf32>
      tpu.vector_store %arg9[%swap3A_422], %swap3A_425 {strides = array<i32>} : memref<2048xf32, #tpu.memory_space<vmem>>, vector<16xf32>,
    }
    %while3A_352 = arith.constant 1 : i32
    scf.for %while3A_398 = %while3A_350 to %while3A_346 step %while3A_352  : i32 {
      %mul3A_399 = arith.constant 16 : i32
      %mul3A_400 = arith.muli %while3A_398, %mul3A_399 : i32
      %add3A_401 = arith.addi %mul3A_334, %mul3A_400 : i32
      %add3A_402 = arith.addi %add3A_322, %add3A_401 : i32
      %get3A_403 = arith.index_cast %add3A_402 : i32 to index
      %get3A_404 = tpu.vector_load %arg7[%get3A_403] {strides = array<i32>} : memref<4232xf32, #tpu.memory_space<vmem>>, vector<16xf32>,
      %get3A_405 = vector.shape_cast %get3A_404 : vector<16xf32> to vector<16xf32>
      %add3A_406 = vector.broadcast %add3A_401 : i32 to vector<16xi32>
      %add3A_407 = arith.addi %add3A_406, %iota3A : vector<16xi32>
      %lt3A_408 = vector.broadcast %min3A_318 : i32 to vector<16xi32>
      %lt3A_409 = arith.cmpi slt, %add3A_407, %lt3A_408 : vector<16xi32>
      %jit3A_410 = arith.constant 0.000000e+00 : f32
      %broadcast_in_dim3A_411 = vector.broadcast %jit3A_410 : f32 to vector<16xf32>
      %select_n3A_412 = arith.select %lt3A_409, %get3A_405, %broadcast_in_dim3A_411 : vector<16xi1>, vector<16xf32>
      %swap3A_413 = arith.index_cast %add3A_401 : i32 to index
      %swap3A_414 = tpu.vector_load %arg10[%swap3A_413] {strides = array<i32>} : memref<2048xf32, #tpu.memory_space<vmem>>, vector<16xf32>,
      %swap3A_415 = vector.shape_cast %swap3A_414 : vector<16xf32> to vector<16xf32>
      %swap3A_416 = vector.shape_cast %select_n3A_412 : vector<16xf32> to vector<16xf32>
      tpu.vector_store %arg10[%swap3A_413], %swap3A_416 {strides = array<i32>} : memref<2048xf32, #tpu.memory_space<vmem>>, vector<16xf32>,
      %sub3A_417 = arith.subf %get3A_405, %div3A : vector<16xf32>
      %mul3A_418 = arith.mulf %sub3A_417, %select_n3A_238 : vector<16xf32>
      %jit3A_419 = arith.constant 0.000000e+00 : f32
      %broadcast_in_dim3A_420 = vector.broadcast %jit3A_419 : f32 to vector<16xf32>
      %select_n3A_421 = arith.select %lt3A_409, %mul3A_418, %broadcast_in_dim3A_420 : vector<16xi1>, vector<16xf32>
      %swap3A_422 = arith.index_cast %add3A_401 : i32 to index
      %swap3A_423 = tpu.vector_load %arg9[%swap3A_422] {strides = array<i32>} : memref<2048xf32, #tpu.memory_space<vmem>>, vector<16xf32>,
      %swap3A_424 = vector.shape_cast %swap3A_423 : vector<16xf32> to vector<16xf32>
      %swap3A_425 = vector.shape_cast %select_n3A_421 : vector<16xf32> to vector<16xf32>
      tpu.vector_store %arg9[%swap3A_422], %swap3A_425 {strides = array<i32>} : memref<2048xf32, #tpu.memory_space<vmem>>, vector<16xf32>,
    }
    %shift_right_arithmetic3A_353 = arith.constant 4 : i32
    %shift_right_arithmetic3A_354 = arith.shrsi %min3A_318, %shift_right_arithmetic3A_353 : i32
    %add3A_355 = arith.constant 1 : i32
    %add3A_356 = arith.addi %shift_right_arithmetic3A_354, %add3A_355 : i32
    %min3A_357 = arith.constant 128 : i32
    %min3A_358 = arith.minsi %add3A_356, %min3A_357 : i32
    %while3A_359 = arith.constant 0 : i32
    %while3A_360 = arith.constant 128 : i32
    %while3A_361 = arith.subi %while3A_360, %min3A_358 : i32
    %while3A_362 = arith.addi %min3A_358, %while3A_361 : i32
    %while3A_363 = arith.constant 1 : i32
    %while3A_364 = arith.divsi %while3A_361, %while3A_363 : i32
    %while3A_365 = arith.muli %while3A_364, %while3A_363 : i32
    %while3A_366 = arith.addi %min3A_358, %while3A_365 : i32
    %while3A_367 = arith.constant 1 : i32
    scf.for %while3A_398 = %min3A_358 to %while3A_366 step %while3A_367  : i32 {
      %mul3A_399 = arith.constant 16 : i32
      %mul3A_400 = arith.muli %while3A_398, %mul3A_399 : i32
      %swap3A_401 = arith.index_cast %mul3A_400 : i32 to index
      %swap3A_402 = tpu.vector_load %arg10[%swap3A_401] {strides = array<i32>} : memref<2048xf32, #tpu.memory_space<vmem>>, vector<16xf32>,
      %swap3A_403 = vector.shape_cast %swap3A_402 : vector<16xf32> to vector<16xf32>
      %swap3A_404 = vector.shape_cast %broadcast_in_dim3A_6 : vector<16xf32> to vector<16xf32>
      tpu.vector_store %arg10[%swap3A_401], %swap3A_404 {strides = array<i32>} : memref<2048xf32, #tpu.memory_space<vmem>>, vector<16xf32>,
      %swap3A_405 = arith.index_cast %mul3A_400 : i32 to index
      %swap3A_406 = tpu.vector_load %arg9[%swap3A_405] {strides = array<i32>} : memref<2048xf32, #tpu.memory_space<vmem>>, vector<16xf32>,
      %swap3A_407 = vector.shape_cast %swap3A_406 : vector<16xf32> to vector<16xf32>
      %swap3A_408 = vector.shape_cast %broadcast_in_dim3A_6 : vector<16xf32> to vector<16xf32>
      tpu.vector_store %arg9[%swap3A_405], %swap3A_408 {strides = array<i32>} : memref<2048xf32, #tpu.memory_space<vmem>>, vector<16xf32>,
    }
    %while3A_368 = arith.constant 1 : i32
    scf.for %while3A_398 = %while3A_366 to %while3A_362 step %while3A_368  : i32 {
      %mul3A_399 = arith.constant 16 : i32
      %mul3A_400 = arith.muli %while3A_398, %mul3A_399 : i32
      %swap3A_401 = arith.index_cast %mul3A_400 : i32 to index
      %swap3A_402 = tpu.vector_load %arg10[%swap3A_401] {strides = array<i32>} : memref<2048xf32, #tpu.memory_space<vmem>>, vector<16xf32>,
      %swap3A_403 = vector.shape_cast %swap3A_402 : vector<16xf32> to vector<16xf32>
      %swap3A_404 = vector.shape_cast %broadcast_in_dim3A_6 : vector<16xf32> to vector<16xf32>
      tpu.vector_store %arg10[%swap3A_401], %swap3A_404 {strides = array<i32>} : memref<2048xf32, #tpu.memory_space<vmem>>, vector<16xf32>,
      %swap3A_405 = arith.index_cast %mul3A_400 : i32 to index
      %swap3A_406 = tpu.vector_load %arg9[%swap3A_405] {strides = array<i32>} : memref<2048xf32, #tpu.memory_space<vmem>>, vector<16xf32>,
      %swap3A_407 = vector.shape_cast %swap3A_406 : vector<16xf32> to vector<16xf32>
      %swap3A_408 = vector.shape_cast %broadcast_in_dim3A_6 : vector<16xf32> to vector<16xf32>
      tpu.vector_store %arg9[%swap3A_405], %swap3A_408 {strides = array<i32>} : memref<2048xf32, #tpu.memory_space<vmem>>, vector<16xf32>,
    }
    %dma_start3A_369 = arith.constant 0 : i32
    %dma_start3A_370 = tpu.memref_slice %arg5[%arg1, %dma_start3A_369] : memref<16x2048xf32, #tpu.memory_space<hbm>> -> memref<1x2048xf32, #tpu.memory_space<hbm>>
    %dma_start3A_371 = tpu.memref_squeeze %dma_start3A_370 : memref<1x2048xf32, #tpu.memory_space<hbm>> -> memref<2048xf32, #tpu.memory_space<hbm>>
    %dma_start3A_372 = arith.constant 0 : i32
    %dma_start3A_373 = tpu.memref_slice %arg5[%arg1, %dma_start3A_372] : memref<16x2048xf32, #tpu.memory_space<hbm>> -> memref<1x2048xf32, #tpu.memory_space<hbm>>
    %dma_start3A_374 = tpu.memref_squeeze %dma_start3A_373 : memref<1x2048xf32, #tpu.memory_space<hbm>> -> memref<2048xf32, #tpu.memory_space<hbm>>
    tpu.enqueue_dma source(%arg10 : memref<2048xf32, #tpu.memory_space<vmem>>) target(%dma_start3A_374 : memref<2048xf32, #tpu.memory_space<hbm>>) target_semaphore(%arg12 : memref<!tpu.dma_semaphore, #tpu.memory_space<semaphore_mem>>)
    %dma_start3A_375 = arith.constant 0 : i32
    %dma_start3A_376 = tpu.memref_slice %arg4[%arg1, %dma_start3A_375] : memref<16x2048xf32, #tpu.memory_space<hbm>> -> memref<1x2048xf32, #tpu.memory_space<hbm>>
    %dma_start3A_377 = tpu.memref_squeeze %dma_start3A_376 : memref<1x2048xf32, #tpu.memory_space<hbm>> -> memref<2048xf32, #tpu.memory_space<hbm>>
    %dma_start3A_378 = arith.constant 0 : i32
    %dma_start3A_379 = tpu.memref_slice %arg4[%arg1, %dma_start3A_378] : memref<16x2048xf32, #tpu.memory_space<hbm>> -> memref<1x2048xf32, #tpu.memory_space<hbm>>
    %dma_start3A_380 = tpu.memref_squeeze %dma_start3A_379 : memref<1x2048xf32, #tpu.memory_space<hbm>> -> memref<2048xf32, #tpu.memory_space<hbm>>
    tpu.enqueue_dma source(%arg9 : memref<2048xf32, #tpu.memory_space<vmem>>) target(%dma_start3A_380 : memref<2048xf32, #tpu.memory_space<hbm>>) target_semaphore(%arg13 : memref<!tpu.dma_semaphore, #tpu.memory_space<semaphore_mem>>)
    %dma_wait3A = arith.constant 0 : i32
    %dma_wait3A_381 = tpu.memref_slice %arg6[%arg1, %dma_wait3A] : memref<16x16xf32, #tpu.memory_space<hbm>> -> memref<1x16xf32, #tpu.memory_space<hbm>>
    %dma_wait3A_382 = tpu.memref_squeeze %dma_wait3A_381 : memref<1x16xf32, #tpu.memory_space<hbm>> -> memref<16xf32, #tpu.memory_space<hbm>>
    %dma_wait3A_383 = arith.constant 0 : i32
    %dma_wait3A_384 = tpu.memref_slice %arg6[%arg1, %dma_wait3A_383] : memref<16x16xf32, #tpu.memory_space<hbm>> -> memref<1x16xf32, #tpu.memory_space<hbm>>
    %dma_wait3A_385 = tpu.memref_squeeze %dma_wait3A_384 : memref<1x16xf32, #tpu.memory_space<hbm>> -> memref<16xf32, #tpu.memory_space<hbm>>
    tpu.wait_dma2 semaphore(%arg14 : memref<!tpu.dma_semaphore, #tpu.memory_space<semaphore_mem>>) src(%arg11 : memref<16xf32, #tpu.memory_space<vmem>>) dst(%dma_wait3A_385 : memref<16xf32, #tpu.memory_space<hbm>>)
    %dma_wait3A_386 = arith.constant 0 : i32
    %dma_wait3A_387 = tpu.memref_slice %arg5[%arg1, %dma_wait3A_386] : memref<16x2048xf32, #tpu.memory_space<hbm>> -> memref<1x2048xf32, #tpu.memory_space<hbm>>
    %dma_wait3A_388 = tpu.memref_squeeze %dma_wait3A_387 : memref<1x2048xf32, #tpu.memory_space<hbm>> -> memref<2048xf32, #tpu.memory_space<hbm>>
    %dma_wait3A_389 = arith.constant 0 : i32
    %dma_wait3A_390 = tpu.memref_slice %arg5[%arg1, %dma_wait3A_389] : memref<16x2048xf32, #tpu.memory_space<hbm>> -> memref<1x2048xf32, #tpu.memory_space<hbm>>
    %dma_wait3A_391 = tpu.memref_squeeze %dma_wait3A_390 : memref<1x2048xf32, #tpu.memory_space<hbm>> -> memref<2048xf32, #tpu.memory_space<hbm>>
    tpu.wait_dma2 semaphore(%arg12 : memref<!tpu.dma_semaphore, #tpu.memory_space<semaphore_mem>>) src(%arg10 : memref<2048xf32, #tpu.memory_space<vmem>>) dst(%dma_wait3A_391 : memref<2048xf32, #tpu.memory_space<hbm>>)
    %dma_wait3A_392 = arith.constant 0 : i32
    %dma_wait3A_393 = tpu.memref_slice %arg4[%arg1, %dma_wait3A_392] : memref<16x2048xf32, #tpu.memory_space<hbm>> -> memref<1x2048xf32, #tpu.memory_space<hbm>>
    %dma_wait3A_394 = tpu.memref_squeeze %dma_wait3A_393 : memref<1x2048xf32, #tpu.memory_space<hbm>> -> memref<2048xf32, #tpu.memory_space<hbm>>
    %dma_wait3A_395 = arith.constant 0 : i32
    %dma_wait3A_396 = tpu.memref_slice %arg4[%arg1, %dma_wait3A_395] : memref<16x2048xf32, #tpu.memory_space<hbm>> -> memref<1x2048xf32, #tpu.memory_space<hbm>>
    %dma_wait3A_397 = tpu.memref_squeeze %dma_wait3A_396 : memref<1x2048xf32, #tpu.memory_space<hbm>> -> memref<2048xf32, #tpu.memory_space<hbm>>
    tpu.wait_dma2 semaphore(%arg13 : memref<!tpu.dma_semaphore, #tpu.memory_space<semaphore_mem>>) src(%arg9 : memref<2048xf32, #tpu.memory_space<vmem>>) dst(%dma_wait3A_397 : memref<2048xf32, #tpu.memory_space<hbm>>)
    return
  }
}

</mosaic_0001>

<sc_bundles>
// kernel: kernel.3.cloned.1.call-start
scs
__scs_entry_jumppad:
0x0: {  	(pc) =	sbr.rel $0x88, $3  }
0x1: {  	(tag) =	ssettag $0x0;
	lr =	simm.s32 $0x1  }
0x2: {  	[smem:$0x3F9F] =	sst lr;
	_ =	strace $0xD0000000  }
0x3: {  	_ = 	snop  }
0x4: {  	_ = 	snop  }
0x5: {  	_ = 	snop  }
0x6: {  	_ = 	snop  }
0x7: {  	_ = 	snop  }
__scs_overlays_trampoline_lowered:
0x8: {  	[smem:$0x3FAE] =	sst s0  }
0x9: {  	[smem:$0x3FAF] =	sst s1  }
0xa: {  	[smem:$0x3FB0] =	sst s2  }
0xb: {  	[smem:$0x3FB1] =	sst s3  }
0xc: {  	[smem:$0x3FB2] =	sst s4  }
0xd: {  	[smem:$0x3FB3] =	sst s5  }
0xe: {  	[smem:$0x3FB4] =	sst s6  }
0xf: {  	[smem:$0x3FB5] =	sst s7  }
0x10: {  	[smem:$0x3FB6] =	sst s8  }
0x11: {  	[smem:$0x3FB7] =	sst s9;
	s0 =	simm.s32 @!p0 $0x0  }
0x12: {  	s1 =	sld [smem:$0x3F9D];
	s0 =	simm.s32 @p0 $0x1  }
0x13: {  	[smem:$0x3FB8] =	sst s0;
	s0 =	simm.s32 @!p1 $0x0  }
0x14: {  	s2 =	sld [smem:$0x3F9C];
	s0 =	simm.s32 @p1 $0x1  }
0x15: {  	[smem:$0x3FB9] =	sst s0;
	s0 =	simm.s32 @!p2 $0x0  }
0x16: {  	s3 =	sld [smem:$0x3FDB];
	s0 =	simm.s32 @p2 $0x1  }
0x17: {  	s4 =	simm.s32 $0x1BF5;
	[smem:$0x3FBB] =	sst s0  }
0x18: {  	s0 =	sld [smem:$0x3F9E];
	_ =	swait.ge [sflag:s4], $0x0  }
0x19: {  	s7 =	sld [smem:$0x3F9F]  }
0x1a: {  	s8 =	sadd.s32 $0xFFFFE003, lr  }
0x1b: {  	s9 =	sadd.s32 $0xFFFFFEF7, lr;
	s5 =	simm.s32 $0xFFFFFFFF;
	p2 =	slt.u32 s8, $0xFFFFF086  }
0x1c: {  	p1 =	slt.u32 s9, $0xF7A;
	s5 =	simm.s32 @!p2 $0x0  }
0x1d: {  	s5 =	simm.s32 @p1 $0x1;
	p0 =	seq.s32 s7, s2  }
0x1e: {  	s7 =	smul.u32 @!p0 $0xF7A, s2;
	p2 =	seq.s32 @!p0 s5, $0x0  }
0x1f: {  	s9 =	smul.u32 $0xF7A, s1;
	s8 =	simm.s32 @!p0 $0x1BF5;
	p2 =	por !p2, p0  }
0x20: {  	[sflag:s8] =	ssyncset.s32 @!p0 $0xFFFFF086;
	s6 =	sadd.s32 @!p0 s3, s7;
	s7 =	simm.s32 @!p0 $0x108  }
0x21: {  	s3 =	sadd.s32 s3, s9;
	s6 =	sadd.s32 @!p0 $0x88, s6;
	s7 =	simm.s32 @p2 $0x1082  }
0x22: {  	[simem:s7], [sflag:s8] =	dma.local @!p0 [hbm:s6], $0xF7A  }
0x23: {  	s9 =	sor.u32 $0xD0000000, s2;
	s6 =	simm.s32 $0x108;
	_ =	swait.ge @!p0 [sflag:s8], $0x0  }
0x24: {  	s3 =	sadd.s32 $0x88, s3;
	s6 =	simm.s32 @!p1 $0x1082;
	[sflag:s4] =	ssyncset.s32 $0xFFFFF086  }
0x25: {  	[simem:s6], [sflag:s4] =	dma.local [hbm:s3], $0xF7A  }
0x26: {  	[smem:$0x3F9F] =	sst s1;
	(tag) =	ssettag s2;
	_ =	strace s9  }
0x27: {  	s1 =	sld [smem:$0x3FAF]  }
0x28: {  	s2 =	sld [smem:$0x3FB0]  }
0x29: {  	s4 =	sld [smem:$0x3FB2]  }
0x2a: {  	p0 =	seq.s32 s5, $0x0;
	s5 =	sld [smem:$0x3FB3]  }
0x2b: {  	s6 =	sld [smem:$0x3FB4]  }
0x2c: {  	s7 =	sld [smem:$0x3FB5]  }
0x2d: {  	s3 =	simm.s32 $0x108;
	s8 =	sld [smem:$0x3FB6]  }
0x2e: {  	s3 =	simm.s32 @!p0 $0x1082;
	s9 =	sld [smem:$0x3FB7]  }
0x2f: {  	lr =	sadd.s32 s0, s3;
	s0 =	sld [smem:$0x3FAE]  }
0x30: {  	s3 =	sld [smem:$0x3FB1]  }
0x31: {  	[smem:$0x3FBA] =	sst s10  }
0x32: {  	s10 =	sld [smem:$0x3FB8];
	_ =	sdelay $0x3  }
0x33: {  	p0 =	seq.s32 s10, $0x1;
	s10 =	sld [smem:$0x3FBA];
	_ =	sdelay $0x3  }
0x34: {  	[smem:$0x3FBA] =	sst s10  }
0x35: {  	s10 =	sld [smem:$0x3FB9];
	_ =	sdelay $0x3  }
0x36: {  	p1 =	seq.s32 s10, $0x1;
	s10 =	sld [smem:$0x3FBA];
	_ =	sdelay $0x3  }
0x37: {  	[smem:$0x3FBA] =	sst s10  }
0x38: {  	s10 =	sld [smem:$0x3FBB]  }
0x39: {  	_ = 	snop;
	(pc) =	sbr.ind lr, $3  }
0x3a: {  	_ = 	snop  }
0x3b: {  	_ = 	snop  }
0x3c: {  	p2 =	seq.s32 s10, $0x1;
	s10 =	sld [smem:$0x3FBA]  }
0x3d: {  	_ =	shalt  }
0x3e: {  	_ =	shalt  }
0x3f: {  	_ =	shalt  }
0x40: {  	_ =	shalt  }
0x41: {  	_ =	shalt  }
0x42: {  	_ =	shalt  }
0x43: {  	_ =	shalt  }
0x44: {  	_ =	shalt  }
0x45: {  	_ =	shalt  }
0x46: {  	_ =	shalt  }
0x47: {  	_ =	shalt  }
0x48: {  	_ =	shalt  }
0x49: {  	_ =	shalt  }
0x4a: {  	_ =	shalt  }
0x4b: {  	_ =	shalt  }
0x4c: {  	_ =	shalt  }
0x4d: {  	_ =	shalt  }
0x4e: {  	_ =	shalt  }
0x4f: {  	_ =	shalt  }
0x50: {  	_ =	shalt  }
0x51: {  	_ =	shalt  }
0x52: {  	_ =	shalt  }
0x53: {  	_ =	shalt  }
0x54: {  	_ =	shalt  }
0x55: {  	_ =	shalt  }
0x56: {  	_ =	shalt  }
0x57: {  	_ =	shalt  }
0x58: {  	_ =	shalt  }
0x59: {  	_ =	shalt  }
0x5a: {  	_ =	shalt  }
0x5b: {  	_ =	shalt  }
0x5c: {  	_ =	shalt  }
0x5d: {  	_ =	shalt  }
0x5e: {  	_ =	shalt  }
0x5f: {  	_ =	shalt  }
0x60: {  	_ =	shalt  }
0x61: {  	_ =	shalt  }
0x62: {  	_ =	shalt  }
0x63: {  	_ =	shalt  }
0x64: {  	_ =	shalt  }
0x65: {  	_ =	shalt  }
0x66: {  	_ =	shalt  }
0x67: {  	_ =	shalt  }
0x68: {  	_ =	shalt  }
0x69: {  	_ =	shalt  }
0x6a: {  	_ =	shalt  }
0x6b: {  	_ =	shalt  }
0x6c: {  	_ =	shalt  }
0x6d: {  	_ =	shalt  }
0x6e: {  	_ =	shalt  }
0x6f: {  	_ =	shalt  }
0x70: {  	_ =	shalt  }
0x71: {  	_ =	shalt  }
0x72: {  	_ =	shalt  }
0x73: {  	_ =	shalt  }
0x74: {  	_ =	shalt  }
0x75: {  	_ =	shalt  }
0x76: {  	_ =	shalt  }
0x77: {  	_ =	shalt  }
0x78: {  	_ =	shalt  }
0x79: {  	_ =	shalt  }
0x7a: {  	_ =	shalt  }
0x7b: {  	_ =	shalt  }
0x7c: {  	_ =	shalt  }
0x7d: {  	_ =	shalt  }
0x7e: {  	_ =	shalt  }
0x7f: {  	_ =	shalt  }
0x80: {  	_ =	shalt  }
0x81: {  	_ =	shalt  }
0x82: {  	_ =	shalt  }
0x83: {  	_ =	shalt  }
0x84: {  	_ =	shalt  }
0x85: {  	_ =	shalt  }
0x86: {  	_ =	shalt  }
0x87: {  	_ =	shalt  }
.Lfunc_end0:
.L_simem_size_0:
called_computation_lowered:
.L_overlay_start_0:
0x88: {  	s0 =	sld [smem:$0x3FD9]  }
0x89: {  	s1 =	sld [smem:$0x3FFE];
	_ =	sdelay $0x3  }
0x8a: {  	s0 =	sadd.s32 s1, s0  }
0x8b: {  	[smem:$0x3FC6] =	sst s0  }
0x8c: {  	_ = 	snop  }
0x8d: {  	s0 =	sld [smem:$0x3FD0];
	_ =	sdelay $0x2  }
0x8e: {  	s2 =	simm.s32 $0xA;
	s3 =	simm.s32 $0x10;
	s13 =	sld [smem:$0x3FC9]  }
0x8f: {  	[smem:s3], [sflag:s2] =	dma.local [hbm:s0], $0x1  }
0x90: {  	_ =	swait.eq [sflag:s2], $0x1  }
0x91: {  	[sflag:s2] =	ssyncset.done $0x0  }
0x92: {  	s14 =	sld [smem:$0x10];
	[sflag:s2] =	ssyncadd.s32 $0xFFFFFFFF  }
0x93: {  	s15 =	sld [smem:$0x11];
	(tm) =	ssettm $0x1  }
0x94: {  	s16 =	sld [smem:$0x3FFB];
	_ =	sdelay $0x3  }
0x95: {  	_ =	strace s16  }
0x96: {  	s3 =	sld [smem:$0x3FFC];
	_ =	sdelay $0x3  }
0x97: {  	_ =	strace s3  }
0x98: {  	s3 =	sld [smem:$0x3FFD];
	_ =	sdelay $0x3  }
0x99: {  	_ =	strace s3  }
0x9a: {  	_ =	strace $0x8FFFFFFF  }
0x9b: {  	s17 =	sld [smem:$0x3FDB];
	_ =	sdelay $0x1  }
0x9c: {  	s4 =	simm.s32 $_scs_section_size  }
0x9d: {  	s5 =	simm.s32 $_size__tile_overlayer_lowered;
	s6 =	simm.s32 $_tile_overlayer_lowered  }
0x9e: {  	s20 =	simm.s32 $0x1BFF;
	s19 =	sshll.u32 s6, $0x1;
	s3 =	sadd.s32 s4, s17  }
0x9f: {  	s7 =	simm.s32 $0x0;
	s18 =	sshll.u32 s5, $0x1;
	s5 =	sadd.s32 s19, s3  }
0xa0: {  	[timem:s7], [sflag:s20] =	dma.local [hbm:s5], s18  }
0xa1: {  	_ =	swait.ge [sflag:s20], s18  }
0xa2: {  	s4 =	ssub.s32 $0x0, s18;
	[sflag:s20] =	ssyncset.done $0x0  }
0xa3: {  	[sflag:s20] =	ssyncadd.s32 s4;
	_ =	sdelay $0x1  }
0xa4: {  	s21 =	simm.s32 $0x1B8B  }
0xa5: {  	_ =	swait.ge [sflag:s21], $0x1  }
0xa6: {  	[sflag:s21] =	ssyncset.done $0x0  }
0xa7: {  	s23 =	simm.s32 $0x1B8E;
	s22 =	sld [smem:$0x3FFE];
	[sflag:s21] =	ssyncadd.s32 $0xFFFFFFFF  }
0xa8: {  	s24 =	simm.s32 $execute0_lowered;
	[smem:$0x3FD2] =	sst s23  }
0xa9: {  	s5 =	sshll.u32 s24, $0x1;
	_ =	strace $0x80000046;
	[dreg:$0x1] =	wrdreg $0xFFFFFFFF  }
0xaa: {  	s25 =	simm.s32 $_size_execute0_lowered;
	s3 =	sadd.s32 s3, s5;
	[dreg:$0x0] =	wrdreg $0x0  }
0xab: {  	s5 =	sshll.u32 s25, $0x1;
	[dreg:$0x2] =	wrdreg s3  }
0xac: {  	[dreg:$0x3] =	wrdreg s5  }
0xad: {  	[dreg:$0x4] =	wrdreg $0xC0  }
0xae: {  	_ =	task [dreg:s7], $0x5FFFF  }
0xaf: {  	[dreg:$0x1] =	wrdreg $0xFFFFFFFF  }
0xb0: {  	[dreg:$0x0] =	wrdreg $0x60  }
0xb1: {  	[dreg:$0x2] =	wrdreg s13  }
0xb2: {  	[dreg:$0x3] =	wrdreg s22  }
0xb3: {  	[dreg:$0x4] =	wrdreg s14  }
0xb4: {  	[dreg:$0x5] =	wrdreg s15  }
0xb5: {  	[dreg:$0x6] =	wrdreg $0x9  }
0xb6: {  	_ =	task.clear_ibuf [dreg:s7], $0x7FFFF;
	_ =	strace $0x90000046  }
0xb7: {  	s26 =	simm.s32 $0x9;
	_ =	strace $0x80000048  }
0xb8: {  	_ =	swait.ge [sflag:s26], $0x1  }
0xb9: {  	[sflag:s26] =	ssyncadd.s32 $0xFFFFFFFF  }
0xba: {  	_ =	strace $0x90000048  }
0xbb: {  	_ =	sfence  }
0xbc: {  	s28 =	sld [smem:$0x0];
	_ =	sdelay $0x1  }
0xbd: {  	s29 =	srdreg.scid  }
0xbe: {  	s30 =	sshll.u32 s29, $0xD;
	s31 =	sshrl.u32 s29, $0x2  }
0xbf: {  	s1 =	sand.u32 $0x1, s29;
	s2 =	sand.u32 $0x4000, s30;
	s0 =	sadd.s32 s31, s28  }
0xc0: {  	s1 =	sor.u32 s2, s1;
	s0 =	sshll.u32 s0, $0x11  }
0xc1: {  	s0 =	sor.u32 s0, s1  }
0xc2: {  	s0 =	sadd.s32 $0x8F2B, s0  }
0xc3: {  	[sflag:s0] =	ssyncadd.remote.s32 $0x1  }
0xc4: {  	_ =	sfence.sel $0xFFFF  }
0xc5: {  	[dreg:$0x0] =	wrdreg $0xFFFFFFFF;
	(pc) =	sbr.abs _section_cstart, $3  }
0xc6: {  	[dreg:$0x1] =	wrdreg $0xFFFFFFFF  }
0xc7: {  	_ =	task.clear_ibuf [dreg:s7], $0x2FFFF;
	_ =	strace $0x9FFFFFFF  }
0xc8: {  	(tm) =	ssettm $0x7FFFFFFF  }
0xc9: {  	_ =	shalt  }
tec
execute0_lowered:
.L_overlay_start_1:
0x0: {  	(tag) =	ssettag $0x1  }
0x1: {  	s5 =	rddreg [dreg:$0x0];
	s0 =	stileid.u32  }
0x2: {  	s4 =	rddreg [dreg:$0x1];
	s8 =	sshrl.u32 s0, $0x3;
	s1 =	sshll.u32 s0, $0x7  }
0x3: {  	s2 =	rddreg [dreg:$0x2];
	s6 =	sand.u32 $0x380, s1;
	s29 =	sshll.u32 s8, $0xA  }
0x4: {  	s3 =	rddreg [dreg:$0x3];
	s9 =	sor.u32 s6, s29  }
0x5: {  	s7 =	simm.s32 $0x0;
	s10 =	simm.s32 $0x1100;
	s9 =	sshrl.u32 s9, $0x3  }
0x6: {  	s12 =	simm.s32 $0x4;
	[smem:$0x7FF] =	sst s7;
	s9 =	sadd.s32 s9, s4  }
0x7: {  	s1 =	rddreg [dreg:$0x4];
	_ =	strace $0x80000047;
	s4 =	sadd.s32 $0xC00, s9  }
0x8: {  	[tilespmem:s10], [sflag:$0x4] =	stream.linear.gather [hbm4b:s4+s7], $0x80, $0x38;
	[tilespmem:$0x2200] =	vst v63  }
0x9: {  	_ =	swait.ge [sflag:s12], $0x80  }
0xa: {  	[sflag:s12] =	ssyncset.done $0x0  }
0xb: {  	[sflag:s12] =	ssyncadd.s32 $0xFFFFFF80  }
0xc: {  	v0 =	vld [tilespmem:$0x1100];
	_ =	sdelay $0x4  }
0xd: {  	(v2sf) =	vpush v0, $0x0  }
0xe: {  	(v2sf) =	vpush v0, $0x1  }
0xf: {  	(v2sf) =	vpush v0, $0x2;
	_ =	sdelay $0xc  }
0x10: {  	s30 =	spop (v2sf)  }
0x11: {  	s11 =	spop (v2sf)  }
0x12: {  	s4 =	spop (v2sf)  }
0x13: {  	s13 =	sshra.s32 s4, $0x6  }
0x14: {  	s31 =	sshrl.u32 s30, $0x3;
	p0 =	slt.s32 s13, $0x1  }
.Ltmp0:
0x15: {  	s5 =	sadd.s32 s5, s31;
	(pc) =	sbr.rel @p0 .LBB2_1-.Ltmp0, $4  }
0x16: {  	[tilespmem:s7], [sflag:$0x4] =	stream.linear.gather [hbm4b:s5+s7], $0x808, $0x38;
	[tilespmem:$0x2200] =	vst v63  }
0x17: {  	_ =	swait.ge [sflag:s12], $0x808  }
0x18: {  	s10 =	sadd.s32 $0xE00, s9;
	s5 =	sshll.u32 s11, $0x2;
	[sflag:s12] =	ssyncset.done $0x0  }
0x19: {  	s9 =	sshll.u32 s8, $0xE;
	s8 =	sadd.s32 $0x80, s5;
	[sflag:s12] =	ssyncadd.s32 $0xFFFFF7F8  }
0x1a: {  	p1 =	sne.s32 s13, $0x1  }
.Ltmp1:
0x1b: {  	_ = 	snop;
	(pc) =	sbr.rel @!p1 .LBB2_3-.Ltmp1, $3  }
0x1c: {  	_ =	sdelay $0x1  }
0x1d: {  	s12 =	sshra.s32 s8, $0x2  }
0x1e: {  	v1 =	vimm.f32 $0.0e+00;
	s13 =	sadd.s32 $0xFFFFFFFF, s13;
	p0 =	por $0x0, $0x0;
	v2 =	vld [tilespmem:s12+$0xFFFFFFE0]  }
0x1f: {  	_ = 	snop  }
0x20: {  	v4 =	vld [tilespmem:s12+$0xFFFFFFF0]  }
0x21: {  	p1 =	sne.s32 s13, $0x1  }
.Ltmp2:
0x22: {  	v5 =	vld [tilespmem:s12+$0x0];
	(pc) =	sbr.rel @!p1 .LBB2_6-.Ltmp2, $4  }
0x23: {  	v7 =	vmul.f32 v2, v2  }
0x24: {  	v3 =	vld [tilespmem:s12+$0x10]  }
0x25: {  	s12 =	sadd.s32 $0x40, s12;
	v6 =	vadd.f32 v2, v1;
	v8 =	vmul.f32 v4, v4;
	v7 =	vadd.f32 v7, v1  }
0x26: {  	s13 =	sadd.s32 $0xFFFFFFFF, s13;
	p0 =	por $0x1, $0x1;
	v2 =	vld [tilespmem:s12+$0xFFFFFFE0]  }
.LBB2_5:
0x27: {  	p1 =	sne.s32 s13, $0x1;
	v6 =	vadd.f32 v4, v6;
	v7 =	vadd.f32 v8, v7;
	v8 =	vmul.f32 v5, v5  }
0x28: {  	v4 =	vld [tilespmem:s12+$0xFFFFFFF0]  }
0x29: {  	v6 =	vadd.f32 v5, v6;
	v7 =	vadd.f32 v8, v7;
	v8 =	vmul.f32 v3, v3  }
.Ltmp3:
0x2a: {  	v5 =	vld [tilespmem:s12+$0x0];
	(pc) =	sbr.rel @p1 .LBB2_5-.Ltmp3, $4  }
0x2b: {  	v9 =	vmul.f32 v2, v2;
	v6 =	vadd.f32 v3, v6;
	v7 =	vadd.f32 v8, v7  }
0x2c: {  	v3 =	vld [tilespmem:s12+$0x10]  }
0x2d: {  	s12 =	sadd.s32 $0x40, s12;
	v6 =	vadd.f32 v2, v6;
	v7 =	vadd.f32 v9, v7;
	v8 =	vmul.f32 v4, v4  }
0x2e: {  	s13 =	sadd.s32 $0xFFFFFFFF, s13;
	v2 =	vld [tilespmem:s12+$0xFFFFFFE0]  }
.LBB2_6:
0x2f: {  	v4 =	vadd.f32 @p0 v4, v6;
	v6 =	vadd.f32 @p0 v8, v7;
	v7 =	vmul.f32 @p0 v5, v5;
	_ =	sdelay $0x1  }
0x30: {  	v60 =	vld [tilespmem:s12+$0xFFFFFFF0];
	v4 =	vadd.f32 @p0 v5, v4;
	v5 =	vadd.f32 @p0 v7, v6;
	v6 =	vmul.f32 @p0 v3, v3;
	_ =	sdelay $0x1  }
0x31: {  	v61 =	vld [tilespmem:s12+$0x0];
	v3 =	vadd.f32 @p0 v3, v4;
	v4 =	vadd.f32 @p0 v6, v5  }
0x32: {  	v62 =	vmul.f32 v2, v2  }
0x33: {  	v63 =	vld [tilespmem:s12+$0x10];
	v3 =	vpsel p0, v3, v1;
	v1 =	vpsel p0, v4, v1  }
0x34: {  	v2 =	vadd.f32 v2, v3;
	v1 =	vadd.f32 v62, v1;
	v3 =	vmul.f32 v60, v60;
	_ =	sdelay $0x1  }
.Ltmp4:
0x35: {  	v2 =	vadd.f32 v60, v2;
	v1 =	vadd.f32 v3, v1;
	v3 =	vmul.f32 v61, v61;
	(pc) =	sbr.rel .LBB2_7-.Ltmp4, $3  }
0x36: {  	_ = 	snop  }
0x37: {  	v2 =	vadd.f32 v61, v2;
	v1 =	vadd.f32 v3, v1;
	v3 =	vmul.f32 v63, v63;
	_ =	sdelay $0x1  }
0x38: {  	v2 =	vadd.f32 v63, v2;
	v1 =	vadd.f32 v3, v1  }
.LBB2_1:
0x39: {  	v2 =	vimm.f32 $0.0e+00;
	v1 =	vimm.f32 $0.0e+00  }
.LBB2_7:
0x3a: {  	s12 =	sand.u32 $0xFFFFFFC0, s4  }
0x3b: {  	s13 =	sadd.s32 s12, s11  }
0x3c: {  	s23 =	sor.u32 $0x10, s12;
	v3 =	vld [tilespmem:s13+$0x0]  }
0x3d: {  	s14 =	sadd.s32 s23, s11  }
0x3e: {  	v4 =	vlaneseq.u32;
	v0 =	vbroadcast v0, $0x2;
	s24 =	sor.u32 $0x20, s12;
	v5 =	vld [tilespmem:s14+$0x0]  }
0x3f: {  	v6 =	vor.u32 s12, v4;
	s15 =	sadd.s32 s24, s11  }
0x40: {  	s12 =	sor.u32 $0x30, s12;
	vm0 =	vlt.s32 v6, v0;
	v57 =	vld [tilespmem:s15+$0x0]  }
0x41: {  	v7 =	vor.u32 s23, v4;
	s25 =	sadd.s32 s12, s11;
	v3 =	vnsel vm0, $0x0, v3  }
0x42: {  	vm11 =	vlt.s32 v7, v0;
	v58 =	vld [tilespmem:s25+$0x0];
	v2 =	vadd.f32 v3, v2  }
0x43: {  	v8 =	vor.u32 s24, v4;
	v5 =	vnsel vm11, $0x0, v5  }
0x44: {  	vm12 =	vlt.s32 v8, v0;
	v2 =	vadd.f32 v5, v2  }
0x45: {  	v4 =	vor.u32 s12, v4;
	v6 =	vnsel vm12, $0x0, v57  }
0x46: {  	vm13 =	vlt.s32 v4, v0;
	v2 =	vadd.f32 v6, v2  }
0x47: {  	v0 =	vnsel vm13, $0x0, v58  }
0x48: {  	v2 =	vadd.f32 v0, v2;
	_ =	sdelay $0x1  }
0x49: {  	(v2sf) =	vpush v2, $0x0  }
0x4a: {  	(v2sf) =	vpush v2, $0x1  }
0x4b: {  	(v2sf) =	vpush v2, $0x2  }
0x4c: {  	(v2sf) =	vpush v2, $0x3  }
0x4d: {  	(v2sf) =	vpush v2, $0x4  }
0x4e: {  	(v2sf) =	vpush v2, $0x5  }
0x4f: {  	v3 =	vmul.f32 v3, v3;
	(v2sf) =	vpush v2, $0x6  }
0x50: {  	(v2sf) =	vpush v2, $0x7  }
0x51: {  	v1 =	vadd.f32 v3, v1;
	v3 =	vmul.f32 v5, v5;
	(v2sf) =	vpush v2, $0x8  }
0x52: {  	(v2sf) =	vpush v2, $0x9  }
0x53: {  	v1 =	vadd.f32 v3, v1;
	v3 =	vmul.f32 v6, v6;
	(v2sf) =	vpush v2, $0xA  }
0x54: {  	(v2sf) =	vpush v2, $0xB  }
0x55: {  	v1 =	vadd.f32 v3, v1;
	v0 =	vmul.f32 v0, v0;
	(v2sf) =	vpush v2, $0xC  }
0x56: {  	(v2sf) =	vpush v2, $0xD  }
0x57: {  	v0 =	vadd.f32 v0, v1;
	(v2sf) =	vpush v2, $0xE  }
0x58: {  	s26 =	spop (v2sf);
	(v2sf) =	vpush v2, $0xF  }
0x59: {  	s28 =	spop (v2sf);
	(v2sf) =	vpush v0, $0x0  }
0x5a: {  	s29 =	spop (v2sf);
	(v2sf) =	vpush v0, $0x1  }
0x5b: {  	s30 =	spop (v2sf)  }
0x5c: {  	(v2sf) =	vpush v0, $0x2;
	s31 =	spop (v2sf)  }
0x5d: {  	s16 =	spop (v2sf)  }
0x5e: {  	(v2sf) =	vpush v0, $0x3;
	s17 =	spop (v2sf)  }
0x5f: {  	s18 =	spop (v2sf)  }
0x60: {  	(v2sf) =	vpush v0, $0x4;
	s19 =	spop (v2sf)  }
0x61: {  	s20 =	spop (v2sf)  }
0x62: {  	(v2sf) =	vpush v0, $0x5;
	s21 =	spop (v2sf)  }
0x63: {  	s11 =	sadd.f32 s28, s26;
	s22 =	spop (v2sf)  }
0x64: {  	(v2sf) =	vpush v0, $0x6;
	s25 =	spop (v2sf)  }
0x65: {  	s11 =	sadd.f32 s11, s29;
	s23 =	spop (v2sf)  }
0x66: {  	(v2sf) =	vpush v0, $0x7;
	s26 =	spop (v2sf)  }
0x67: {  	s11 =	sadd.f32 s11, s30;
	s24 =	spop (v2sf)  }
0x68: {  	(v2sf) =	vpush v0, $0x8;
	s28 =	spop (v2sf)  }
0x69: {  	s11 =	sadd.f32 s11, s31;
	s29 =	spop (v2sf)  }
0x6a: {  	(v2sf) =	vpush v0, $0x9;
	s14 =	sadd.f32 s29, s28  }
0x6b: {  	s11 =	sadd.f32 s11, s16;
	s30 =	spop (v2sf)  }
0x6c: {  	(v2sf) =	vpush v0, $0xA;
	s14 =	sadd.f32 s14, s30  }
0x6d: {  	s11 =	sadd.f32 s11, s17;
	s31 =	spop (v2sf)  }
0x6e: {  	(v2sf) =	vpush v0, $0xB;
	s14 =	sadd.f32 s14, s31  }
0x6f: {  	s11 =	sadd.f32 s11, s18;
	s16 =	spop (v2sf)  }
0x70: {  	(v2sf) =	vpush v0, $0xC;
	s14 =	sadd.f32 s14, s16  }
0x71: {  	s11 =	sadd.f32 s11, s19;
	s17 =	spop (v2sf)  }
0x72: {  	(v2sf) =	vpush v0, $0xD;
	s14 =	sadd.f32 s14, s17  }
0x73: {  	s11 =	sadd.f32 s11, s20;
	s18 =	spop (v2sf)  }
0x74: {  	s19 =	scvt.s32.f32 s4;
	(v2sf) =	vpush v0, $0xE;
	s14 =	sadd.f32 s14, s18  }
0x75: {  	s11 =	sadd.f32 s11, s21;
	s20 =	spop (v2sf)  }
0x76: {  	v1 =	vmov s19;
	(v2sf) =	vpush v0, $0xF;
	s14 =	sadd.f32 s14, s20  }
0x77: {  	s11 =	sadd.f32 s11, s22;
	v0 =	vmax.f32 v1, $1.000000000e+00;
	s21 =	spop (v2sf)  }
0x78: {  	(erf) = vrcp.f32 v0;
	s14 =	sadd.f32 s14, s21  }
0x79: {  	s11 =	sadd.f32 s11, s25;
	s22 =	spop (v2sf)  }
0x7a: {  	s12 =	sadd.f32 s14, s22  }
0x7b: {  	s11 =	sadd.f32 s11, s23;
	s23 =	spop (v2sf)  }
0x7c: {  	s12 =	sadd.f32 s12, s23  }
0x7d: {  	s11 =	sadd.f32 s11, s26;
	s25 =	spop (v2sf)  }
0x7e: {  	v0 =	vadd.f32 $-1.000000000e+00, v1;
	s12 =	sadd.f32 s12, s25  }
0x7f: {  	s11 =	sadd.f32 s11, s24;
	s26 =	spop (v2sf)  }
0x80: {  	v0 =	vmax.f32 v0, $1.000000000e+00;
	s12 =	sadd.f32 s12, s26  }
0x81: {  	(erf) = vrcp.f32 v0;
	v1 =	vpop (erf);
	s28 =	spop (v2sf)  }
0x82: {  	v0 =	vmul.f32 s11, v1;
	s12 =	sadd.f32 s12, s28  }
0x83: {  	s29 =	spop (v2sf)  }
0x84: {  	v1 =	vmul.f32 s19, v0;
	s11 =	sadd.f32 s12, s29  }
0x85: {  	s30 =	spop (v2sf)  }
0x86: {  	v1 =	vmul.f32 v1, v0;
	s11 =	sadd.f32 s11, s30;
	_ =	sdelay $0x1  }
0x87: {  	v1 =	vsub.f32 s11, v1;
	_ =	sdelay $0x1  }
0x88: {  	v2 =	vpop (erf);
	v1 =	vmax.f32 v1, $0.0e+00  }
0x89: {  	v1 =	vmul.f32 v1, v2;
	_ =	sdelay $0x1  }
0x8a: {  	v2 =	vmax.f32 v1, $1.000000000e-30  }
0x8b: {  	v3 =	vshra.s32 v2, $0x1;
	v2 =	vmul.f32 $5.000000000e-01, v2  }
0x8c: {  	v3 =	vsub.s32 $0x5F3759DF, v3  }
0x8d: {  	v59 =	vmul.f32 v3, v2;
	_ =	sdelay $0x1  }
0x8e: {  	v4 =	vmul.f32 v3, v59;
	_ =	sdelay $0x1  }
0x8f: {  	v4 =	vsub.f32 $1.500000000e+00, v4;
	_ =	sdelay $0x1  }
0x90: {  	v3 =	vmul.f32 v3, v4;
	_ =	sdelay $0x1  }
0x91: {  	v4 =	vmul.f32 v3, v2;
	_ =	sdelay $0x1  }
0x92: {  	v4 =	vmul.f32 v4, v3;
	_ =	sdelay $0x1  }
0x93: {  	v4 =	vsub.f32 $1.500000000e+00, v4;
	_ =	sdelay $0x1  }
0x94: {  	v3 =	vmul.f32 v4, v3;
	_ =	sdelay $0x1  }
0x95: {  	v2 =	vmul.f32 v3, v2;
	_ =	sdelay $0x1  }
0x96: {  	v2 =	vmul.f32 v2, v3;
	_ =	sdelay $0x1  }
0x97: {  	v60 =	vadd.f32 $9.999999970e-07, v1;
	v2 =	vsub.f32 $1.500000000e+00, v2;
	_ =	sdelay $0x1  }
0x98: {  	v2 =	vmul.f32 v2, v3;
	v3 =	vand.u32 $0x7FFFFF, v60  }
0x99: {  	v3 =	vor.u32 $0x3F800000, v3  }
0x9a: {  	v2 =	vmul.f32 v2, v1;
	v61 =	vmul.f32 $5.000000000e-01, v3  }
0x9b: {  	vm14 =	vgt.f32 v3, $1.414213540e+00  }
0x9c: {  	v2 =	vadd.f32 $9.999999970e-07, v2;
	v3 =	vsel vm14, v61, v3  }
0x9d: {  	v5 =	vadd.f32 $1.000000000e+00, v3  }
0x9e: {  	(erf) = vrcp.f32 v2  }
0x9f: {  	(erf) = vrcp.f32 v5;
	_ =	sdelay $0x7  }
0xa0: {  	v3 =	vadd.f32 $-1.000000000e+00, v3;
	v2 =	vpop (erf)  }
0xa1: {  	v5 =	vpop (erf)  }
0xa2: {  	v3 =	vmul.f32 v5, v3;
	_ =	sdelay $0x1  }
0xa3: {  	v5 =	vmul.f32 v3, v3;
	_ =	sdelay $0x1  }
0xa4: {  	v62 =	vmul.f32 $1.111111120e-01, v5;
	_ =	sdelay $0x1  }
0xa5: {  	v6 =	vadd.f32 $1.428571490e-01, v62;
	_ =	sdelay $0x1  }
0xa6: {  	v6 =	vmul.f32 v6, v5;
	_ =	sdelay $0x1  }
0xa7: {  	v6 =	vadd.f32 $2.000000030e-01, v6;
	_ =	sdelay $0x1  }
0xa8: {  	v6 =	vmul.f32 v6, v5;
	_ =	sdelay $0x1  }
0xa9: {  	v63 =	vimm.s32 $0x0;
	v6 =	vadd.f32 $3.333333430e-01, v6  }
0xaa: {  	v4 =	vshra.s32 v60, $0x17;
	v7 =	vsel vm14, $0x1, v63  }
0xab: {  	v4 =	vadd.s32 v7, v4;
	v5 =	vmul.f32 v6, v5  }
0xac: {  	v4 =	vadd.s32 $0xFFFFFF81, v4  }
0xad: {  	v4 =	vcvt.s32.f32 v4;
	v3 =	vadd.f32 v3, v3;
	v5 =	vadd.f32 $1.000000000e+00, v5;
	_ =	sdelay $0x1  }
0xae: {  	v4 =	vmul.f32 $6.931471820e-01, v4;
	v3 =	vmul.f32 v5, v3;
	_ =	sdelay $0x1  }
0xaf: {  	v3 =	vadd.f32 v3, v4;
	_ =	sdelay $0x1  }
0xb0: {  	v3 =	vmax.f32 v3, $-5.000000000e+00  }
0xb1: {  	v3 =	vmin.f32 v3, $5.000000000e+00  }
0xb2: {  	s31 =	simm.s32 $0x2180;
	[tilespmem:$0x2180] =	vst v3  }
0xb3: {  	[hbm4b:s10+s7] =	stream.linear.scatter [tilespmem:s31], [sflag:$0x3], $0x80, $0x38;
	[tilespmem:$0x2200] =	vst v63  }
0xb4: {  	p0 =	sgt.s32 s4, $0x0;
	s7 =	smov.u32 s4  }
0xb5: {  	s7 =	simm.s32 @!p0 $0x0  }
0xb6: {  	s7 =	smin.u32 s7, $0x800  }
0xb7: {  	s10 =	sshrl.u32 s7, $0x6  }
0xb8: {  	p0 =	seq.s32 s10, $0x0  }
.Ltmp5:
0xb9: {  	_ = 	snop;
	(pc) =	sbr.rel @p0 .LBB2_14-.Ltmp5, $3  }
0xba: {  	_ =	sdelay $0x1  }
0xbb: {  	vm15 =	vgt.f32 v1, $9.999999960e-13  }
0xbc: {  	s6 =	sor.u32 s6, s9;
	v1 =	vnsel vm15, $0x0, v2  }
0xbd: {  	p1 =	sne.s32 s10, $0x1  }
.Ltmp6:
0xbe: {  	_ = 	snop;
	(pc) =	sbr.rel @!p1 .LBB2_9-.Ltmp6, $3  }
0xbf: {  	_ =	sdelay $0x1  }
0xc0: {  	s11 =	sshra.s32 s8, $0x2;
	s8 =	simm.s32 $0x19A0  }
0xc1: {  	s9 =	simm.s32 $0x11A0;
	s12 =	sadd.s32 $0xFFFFFFFF, s10;
	p0 =	por $0x0, $0x0;
	v2 =	vld [tilespmem:s11+$0xFFFFFFE0]  }
0xc2: {  	_ =	sdelay $0x3  }
0xc3: {  	v3 =	vsub.f32 v2, v0;
	_ =	sdelay $0x1  }
0xc4: {  	v3 =	vmul.f32 v3, v1  }
0xc5: {  	[tilespmem:s8+$0xFFFFFFE0] =	vst v2  }
0xc6: {  	[tilespmem:s9+$0xFFFFFFE0] =	vst v3  }
0xc7: {  	v2 =	vld [tilespmem:s11+$0xFFFFFFF0];
	_ =	sdelay $0x4  }
0xc8: {  	v3 =	vsub.f32 v2, v0;
	_ =	sdelay $0x1  }
0xc9: {  	v3 =	vmul.f32 v3, v1  }
0xca: {  	[tilespmem:s8+$0xFFFFFFF0] =	vst v2  }
0xcb: {  	[tilespmem:s9+$0xFFFFFFF0] =	vst v3  }
0xcc: {  	v2 =	vld [tilespmem:s11+$0x0];
	_ =	sdelay $0x4  }
0xcd: {  	v3 =	vsub.f32 v2, v0;
	_ =	sdelay $0x1  }
0xce: {  	v3 =	vmul.f32 v3, v1  }
0xcf: {  	[tilespmem:s8+$0x0] =	vst v2  }
0xd0: {  	[tilespmem:s9+$0x0] =	vst v3  }
0xd1: {  	v2 =	vld [tilespmem:s11+$0x10];
	_ =	sdelay $0x4  }
0xd2: {  	p1 =	sne.s32 s12, $0x1;
	v3 =	vsub.f32 v2, v0  }
.Ltmp7:
0xd3: {  	_ = 	snop;
	(pc) =	sbr.rel @!p1 .LBB2_11-.Ltmp7, $4  }
0xd4: {  	v3 =	vmul.f32 v3, v1  }
0xd5: {  	[tilespmem:s8+$0x10] =	vst v2  }
0xd6: {  	s14 =	sadd.s32 $0xFFFFFFFF, s12;
	s11 =	sadd.s32 $0x40, s11;
	[tilespmem:s9+$0x10] =	vst v3  }
0xd7: {  	p0 =	por $0x1, $0x1;
	s12 =	simm.s32 $0x19A0;
	s13 =	simm.s32 $0x11A0;
	v2 =	vld [tilespmem:s11+$0xFFFFFFE0]  }
.LBB2_12:
0xd8: {  	p1 =	sne.s32 s14, $0x1;
	_ =	sdelay $0x2  }
0xd9: {  	s12 =	sadd.s32 $0x40, s12  }
0xda: {  	[tilespmem:s12+$0xFFFFFFE0] =	vst v2;
	v2 =	vsub.f32 v2, v0;
	_ =	sdelay $0x1  }
0xdb: {  	v2 =	vmul.f32 v2, v1  }
0xdc: {  	s13 =	sadd.s32 $0x40, s13  }
0xdd: {  	[tilespmem:s13+$0xFFFFFFE0] =	vst v2  }
0xde: {  	v2 =	vld [tilespmem:s11+$0xFFFFFFF0];
	_ =	sdelay $0x4  }
0xdf: {  	[tilespmem:s12+$0xFFFFFFF0] =	vst v2;
	v2 =	vsub.f32 v2, v0;
	_ =	sdelay $0x1  }
0xe0: {  	v2 =	vmul.f32 v2, v1;
	_ =	sdelay $0x1  }
0xe1: {  	[tilespmem:s13+$0xFFFFFFF0] =	vst v2  }
0xe2: {  	v2 =	vld [tilespmem:s11+$0x0];
	_ =	sdelay $0x4  }
0xe3: {  	[tilespmem:s12+$0x0] =	vst v2;
	v2 =	vsub.f32 v2, v0;
	_ =	sdelay $0x1  }
0xe4: {  	v2 =	vmul.f32 v2, v1;
	_ =	sdelay $0x1  }
0xe5: {  	[tilespmem:s13+$0x0] =	vst v2  }
0xe6: {  	v2 =	vld [tilespmem:s11+$0x10];
	_ =	sdelay $0x4  }
0xe7: {  	[tilespmem:s12+$0x10] =	vst v2;
	v2 =	vsub.f32 v2, v0  }
.Ltmp8:
0xe8: {  	(pc) =	sbr.rel @p1 .LBB2_12-.Ltmp8, $3  }
0xe9: {  	v2 =	vmul.f32 v2, v1;
	_ =	sdelay $0x1  }
0xea: {  	s11 =	sadd.s32 $0x40, s11;
	[tilespmem:s13+$0x10] =	vst v2  }
0xeb: {  	s14 =	sadd.s32 $0xFFFFFFFF, s14;
	v2 =	vld [tilespmem:s11+$0xFFFFFFE0]  }
.LBB2_13:
0xec: {  	_ =	sdelay $0x3  }
0xed: {  	v3 =	vsub.f32 v2, v0  }
0xee: {  	s12 =	sadd.s32 @p0 $0x40, s12  }
0xef: {  	s8 =	smov.u32 @p0 s12;
	s12 =	sadd.s32 @p0 $0x40, s13;
	v3 =	vmul.f32 v3, v1  }
0xf0: {  	s9 =	smov.u32 @p0 s12;
	[tilespmem:s8+$0xFFFFFFE0] =	vst v2  }
0xf1: {  	[tilespmem:s9+$0xFFFFFFE0] =	vst v3  }
0xf2: {  	v2 =	vld [tilespmem:s11+$0xFFFFFFF0];
	_ =	sdelay $0x4  }
0xf3: {  	v3 =	vsub.f32 v2, v0;
	_ =	sdelay $0x1  }
0xf4: {  	v3 =	vmul.f32 v3, v1  }
0xf5: {  	[tilespmem:s8+$0xFFFFFFF0] =	vst v2  }
0xf6: {  	[tilespmem:s9+$0xFFFFFFF0] =	vst v3  }
0xf7: {  	v2 =	vld [tilespmem:s11+$0x0];
	_ =	sdelay $0x4  }
0xf8: {  	v3 =	vsub.f32 v2, v0;
	_ =	sdelay $0x1  }
0xf9: {  	v3 =	vmul.f32 v3, v1  }
0xfa: {  	[tilespmem:s8+$0x0] =	vst v2  }
0xfb: {  	[tilespmem:s9+$0x0] =	vst v3  }
0xfc: {  	v2 =	vld [tilespmem:s11+$0x10];
	_ =	sdelay $0x4  }
0xfd: {  	v3 =	vsub.f32 v2, v0;
	_ =	sdelay $0x1  }
0xfe: {  	v3 =	vmul.f32 v3, v1  }
0xff: {  	[tilespmem:s8+$0x10] =	vst v2  }
0x100: {  	[tilespmem:s9+$0x10] =	vst v3  }
.LBB2_14:
0x101: {  	s8 =	sshrl.u32 s7, $0x4  }
0x102: {  	s9 =	sshll.u32 s10, $0x2;
	s8 =	smin.u32 s8, $0x7F  }
0x103: {  	s9 =	ssub.s32 s8, s9  }
0x104: {  	s11 =	sadd.s32 $0x1, s9  }
0x105: {  	p0 =	slt.s32 s11, $0x1  }
.Ltmp9:
0x106: {  	_ = 	snop;
	(pc) =	sbr.rel @p0 .LBB2_18-.Ltmp9, $2  }
0x107: {  	_ =	sdelay $0x2  }
0x108: {  	s6 =	sshrl.u32 s6, $0x3  }
0x109: {  	s9 =	sshll.u32 s10, $0x8  }
0x10a: {  	s10 =	sshrl.u32 s9, $0x2;
	s9 =	sadd.s32 s5, s9  }
0x10b: {  	s9 =	sshra.s32 s9, $0x2  }
0x10c: {  	v3 =	vld [tilespmem:s9+$0x0];
	_ =	sdelay $0x2  }
0x10d: {  	v2 =	vlaneseq.u32  }
0x10e: {  	p0 =	seq.s32 s11, $0x1;
	v2 =	vmul.u32 $0xFFFFFFFF, v2  }
.Ltmp10:
0x10f: {  	s12 =	sand.u32 $0xFC0, s7;
	v4 =	vsub.f32 v3, v0;
	(pc) =	sbr.rel @p0 .LBB2_17-.Ltmp10, $4  }
0x110: {  	v5 =	vmov s12;
	v2 =	vadd.s32 s7, v2  }
0x111: {  	vm0 =	vlt.s32 v5, v2;
	v4 =	vmul.f32 v4, v1  }
0x112: {  	s7 =	sadd.s32 $0x1980, s10;
	v3 =	vnsel vm0, $0x0, v3  }
0x113: {  	s5 =	sadd.s32 $0x1180, s10;
	s10 =	sadd.s32 $0xFFFFFFFF, s11;
	s11 =	sadd.s32 $0x10, s12;
	[tilespmem:s7+$0x0] =	vst v3;
	v3 =	vnsel vm0, $0x0, v4  }
.LBB2_16:
0x114: {  	[tilespmem:s5+$0x0] =	vst v3;
	s7 =	sadd.s32 $0x10, s7;
	s5 =	sadd.s32 $0x10, s5;
	s9 =	sadd.s32 $0x10, s9  }
0x115: {  	p0 =	seq.s32 s10, $0x1;
	s10 =	sadd.s32 $0xFFFFFFFF, s10;
	v3 =	vld [tilespmem:s9+$0x0];
	_ =	sdelay $0x2  }
0x116: {  	v4 =	vmov s11  }
0x117: {  	vm0 =	vlt.s32 v4, v2  }
.Ltmp11:
0x118: {  	v4 =	vnsel vm0, $0x0, v3;
	v3 =	vsub.f32 v3, v0;
	(pc) =	sbr.rel @!p0 .LBB2_16-.Ltmp11, $3  }
0x119: {  	[tilespmem:s7+$0x0] =	vst v4  }
0x11a: {  	v3 =	vmul.f32 v3, v1;
	_ =	sdelay $0x1  }
0x11b: {  	s11 =	sadd.s32 $0x10, s11;
	v3 =	vnsel vm0, $0x0, v3  }
.LBB2_17:
0x11c: {  	[tilespmem:s5+$0x0] =	vst v3  }
.LBB2_18:
0x11d: {  	p0 =	sgt.s32 s4, $0x7EF  }
.Ltmp12:
0x11e: {  	_ = 	snop;
	(pc) =	sbr.rel @p0 .LBB2_22-.Ltmp12, $2  }
0x11f: {  	_ =	sdelay $0x2  }
0x120: {  	s3 =	sadd.s32 s3, s6;
	s2 =	sadd.s32 s2, s6  }
0x121: {  	s5 =	sshll.u32 s8, $0x6  }
0x122: {  	p0 =	sne.s32 s5, $0x1F80  }
.Ltmp13:
0x123: {  	_ = 	snop;
	(pc) =	sbr.rel @!p0 .LBB2_21-.Ltmp13, $2  }
0x124: {  	_ =	sdelay $0x2  }
0x125: {  	v0 =	vimm.f32 $0.0e+00;
	s4 =	sadd.s32 $0x40, s5;
	s5 =	sshra.s32 s5, $0x2  }
.LBB2_20:
0x126: {  	p0 =	sne.s32 s4, $0x1F80;
	[tilespmem:s5+$0x1990] =	vst v0;
	s6 =	smov.u32 s4;
	s4 =	sadd.s32 $0x40, s4  }
.Ltmp14:
0x127: {  	[tilespmem:s5+$0x1190] =	vst v0;
	(pc) =	sbr.rel @p0 .LBB2_20-.Ltmp14, $2  }
0x128: {  	_ =	sdelay $0x2  }
0x129: {  	s5 =	sshra.s32 s6, $0x2  }
.LBB2_21:
0x12a: {  	[tilespmem:s5+$0x1990] =	vst v0  }
0x12b: {  	[tilespmem:s5+$0x1190] =	vst v0  }
.LBB2_22:
0x12c: {  	s4 =	simm.s32 $0x80;
	s5 =	simm.s32 $0x400;
	s6 =	simm.s32 $0x1980  }
0x12d: {  	[hbm4b:s3+s4] =	stream.strided.scatter [tilespmem:s6], [sflag:$0x1], $0x800, s5, s4, $0x38;
	[tilespmem:$0x2200] =	vst v63  }
0x12e: {  	s28 =	simm.s32 $0x1180;
	s29 =	simm.s32 $0x3  }
0x12f: {  	[hbm4b:s2+s4] =	stream.strided.scatter [tilespmem:s28], [sflag:$0x2], $0x800, s5, s4, $0x38;
	[tilespmem:$0x2200] =	vst v63  }
0x130: {  	_ =	swait.ge [sflag:s29], $0x80  }
0x131: {  	[sflag:s29] =	ssyncset.done $0x0  }
0x132: {  	s30 =	simm.s32 $0x1;
	[sflag:s29] =	ssyncadd.s32 $0xFFFFFF80  }
0x133: {  	_ =	swait.ge [sflag:s30], $0x800  }
0x134: {  	[sflag:s30] =	ssyncset.done $0x0  }
0x135: {  	s31 =	simm.s32 $0x2;
	[sflag:s30] =	ssyncadd.s32 $0xFFFFF800  }
0x136: {  	_ =	swait.ge [sflag:s31], $0x800  }
0x137: {  	[sflag:s31] =	ssyncset.done $0x0  }
0x138: {  	[sflag:s31] =	ssyncadd.s32 $0xFFFFF800  }
0x139: {  	_ =	sfence.sel $0x180000  }
0x13a: {  	[bflag:$0x0] =	sbarrier.arrive $0xFFFF  }
0x13b: {  	p0 =	sne.s32 s0, $0x0;
	_ =	strace $0x90000047  }
0x13c: {  	s0 =	sadd.s32 @!p0 $0x100000, s1;
	[bflag:$0x2] =	sbarrier.arrive $0xFFFF  }
0x13d: {  	[sflag:s0] =	ssyncadd.tile.s32 @!p0 $0x1;
	_ =	shalt  }
.LBB2_3:
.Ltmp15:
0x13e: {  	(pc) =	sbr.rel .LBB2_6-.Ltmp15, $2  }
0x13f: {  	_ =	sdelay $0x2  }
0x140: {  	_ = 	snop  }
.LBB2_9:
.Ltmp16:
0x141: {  	(pc) =	sbr.rel .LBB2_13-.Ltmp16, $2  }
0x142: {  	_ =	sdelay $0x2  }
0x143: {  	s12 =	simm.s32 $0x19A0;
	s13 =	simm.s32 $0x11A0  }
.LBB2_11:
.Ltmp17:
0x144: {  	(pc) =	sbr.rel .LBB2_13-.Ltmp17, $2  }
0x145: {  	_ =	sdelay $0x2  }
0x146: {  	s12 =	simm.s32 $0x19A0;
	s13 =	simm.s32 $0x11A0  }
.Lfunc_end2:
_tile_overlayer_lowered:
.L_overlay_start_2:
0x147: {  	(tag) =	ssettag $0x2  }
0x148: {  	s0 =	rddreg [dreg:$0x0];
	s2 =	stileid.u32  }
0x149: {  	s1 =	rddreg [dreg:$0x1];
	p0 =	sne.s32 s2, $0x0  }
0x14a: {  	s3 =	rddreg [dreg:$0x2];
	[bflag:$0x3] =	sbarrier.arrive $0xFFFF;
	s2 =	simm.s32 @!p0 $0x1C04  }
0x14b: {  	[timem:s3], [sflag:s2] =	dma.local @!p0 [hbm:s0], s1  }
0x14c: {  	s0 =	simm.s32 @!p0 $0x4  }
0x14d: {  	_ =	swait.ge @!p0 [sflag:s0], s1  }
0x14e: {  	s1 =	ssub.s32 @!p0 $0x0, s1;
	[sflag:s0] =	ssyncset.done @!p0 $0x0  }
0x14f: {  	[sflag:s0] =	ssyncadd.s32 @!p0 s1  }
0x150: {  	[bflag:$0x3] =	sbarrier.arrive $0xFFFF  }
0x151: {  	_ =	shalt  }

</sc_bundles>
